<compile_context>
chip_gen: v7x
topology: tpu7x:2x2x1
jax: 0.10.2.dev20260603
libtpu: 0.0.44.dev20260713+nightly
codegen_flags: <defaults>
</compile_context>

<pallas_src>
import functools

import jax
import jax.numpy as jnp
from jax import lax
from jax.experimental import pallas as pl
from jax.experimental.pallas import tpu as pltpu
from jax.experimental.pallas import tpu_sc as plsc

N = 10000
E = 320000
CIN = 128
COUT = 128
K = 27
EPS = 1e-5

NPAD = 10240
NC, NS = 2, 16
NW = NC * NS
EPT = E // NW
CH = 80
NCHUNK = EPT // CH
ROWS_PER_SUB = NPAD // NS
ZB = 40
KSTRIP = 2000


def _z_body(x_ref, w_ref, z_ref):
    for k in range(K):
        z_ref[k] = jnp.dot(x_ref[...], w_ref[k], preferred_element_type=jnp.float32)


def _z_matmul(x, W):
    nb = 10
    bn = N // nb
    return pl.pallas_call(
        _z_body,
        grid=(nb,),
        in_specs=[
            pl.BlockSpec((bn, CIN), lambda i: (i, 0)),
            pl.BlockSpec((K, CIN, COUT), lambda i: (0, 0, 0)),
        ],
        out_specs=pl.BlockSpec((K, bn, COUT), lambda i: (0, i, 0)),
        out_shape=jax.ShapeDtypeStruct((K, N, COUT), jnp.float32),
    )(x, W)


def _sc_body(z_hbm, edge_hbm, kidx_hbm, out_hbm,
             rowv, kidv, dst_a, rows_a, dst_b, rows_b, dst_c, rows_c,
             zbuf, hsh, sem_a, sem_b, sem_c):
    c = lax.axis_index("c")
    s = lax.axis_index("s")
    wid = s * NC + c
    ebase = wid * EPT

    pltpu.sync_copy(edge_hbm.at[pl.ds(ebase, EPT)], rowv)
    for p in range(EPT // KSTRIP):
        pltpu.sync_copy(kidx_hbm.at[pl.ds(ebase + p * KSTRIP, KSTRIP)], kidv)

        def _rows(i, carry, p=p):
            sl = pl.ds(i * 16, 16)
            gl = pl.ds(p * KSTRIP + i * 16, 16)
            rowv[gl] = kidv[sl] * N + rowv[gl]
            return carry

        lax.fori_loop(0, KSTRIP // 16, _rows, 0)

    def _fire(t, dst_x, rows_x, sem_x):
        off = t * CH
        pltpu.async_copy(edge_hbm.at[pl.ds(E + ebase + off, CH)], dst_x, sem_x)
        pltpu.async_copy(z_hbm.at[rowv.at[pl.ds(off, CH)]], rows_x, sem_x)

    def _wait(t, dst_x, rows_x, sem_x):
        off = t * CH
        pltpu.make_async_copy(edge_hbm.at[pl.ds(E + ebase + off, CH)], dst_x, sem_x).wait()
        pltpu.make_async_copy(z_hbm.at[rowv.at[pl.ds(off, CH)]], rows_x, sem_x).wait()

    def _scat(rows_x, dst_x):
        pltpu.sync_copy(rows_x, hsh.at[dst_x], add=True)

    _fire(0, dst_a, rows_a, sem_a)
    _fire(1, dst_b, rows_b, sem_b)
    _fire(2, dst_c, rows_c, sem_c)

    zeros = jnp.zeros((16,), jnp.float32)

    def _zfill(r, carry):
        for q in range(COUT // 16):
            zbuf[r, pl.ds(q * 16, 16)] = zeros
        return carry

    lax.fori_loop(0, ZB, _zfill, 0)
    base_row = s * ROWS_PER_SUB

    def _zcopy(q, carry):
        pltpu.sync_copy(zbuf, hsh.at[pl.ds(base_row + q * ZB, ZB)])
        return carry

    lax.fori_loop(0, ROWS_PER_SUB // ZB, _zcopy, 0)

    plsc.subcore_barrier()

    def _step(t, dst_x, rows_x, sem_x):
        _wait(t, dst_x, rows_x, sem_x)
        _scat(rows_x, dst_x)

        @pl.when(t + 3 < NCHUNK)
        def _():
            _fire(t + 3, dst_x, rows_x, sem_x)

    def _trip(i, carry):
        t = 3 * i
        _step(t, dst_a, rows_a, sem_a)
        _step(t + 1, dst_b, rows_b, sem_b)
        _step(t + 2, dst_c, rows_c, sem_c)
        return carry

    lax.fori_loop(0, NCHUNK // 3, _trip, 0)
    _step(NCHUNK - 2, dst_a, rows_a, sem_a)
    _step(NCHUNK - 1, dst_b, rows_b, sem_b)

    plsc.subcore_barrier()

    pltpu.sync_copy(hsh.at[pl.ds(base_row, ROWS_PER_SUB)],
                    out_hbm.at[pl.ds(c * NPAD + base_row, ROWS_PER_SUB)])


@functools.cache
def _sc_edges():
    return pl.kernel(
        _sc_body,
        mesh=plsc.VectorSubcoreMesh(core_axis_name="c", subcore_axis_name="s"),
        out_type=jax.ShapeDtypeStruct((NC * NPAD, COUT), jnp.float32),
        scratch_types=[
            pltpu.VMEM((EPT,), jnp.int32),
            pltpu.VMEM((KSTRIP,), jnp.int32),
            pltpu.VMEM((CH,), jnp.int32),
            pltpu.VMEM((CH, COUT), jnp.float32),
            pltpu.VMEM((CH,), jnp.int32),
            pltpu.VMEM((CH, COUT), jnp.float32),
            pltpu.VMEM((CH,), jnp.int32),
            pltpu.VMEM((CH, COUT), jnp.float32),
            pltpu.VMEM((ZB, COUT), jnp.float32),
            pltpu.VMEM_SHARED((NPAD, COUT), jnp.float32),
            pltpu.SemaphoreType.DMA,
            pltpu.SemaphoreType.DMA,
            pltpu.SemaphoreType.DMA,
        ],
    )


def _bn_body(hp_ref, g_ref, b_ref, o_ref):
    h = hp_ref[:N, :] + hp_ref[NPAD:NPAD + N, :]
    mean = jnp.mean(h, axis=0, keepdims=True)
    hc = h - mean
    var = jnp.mean(hc * hc, axis=0, keepdims=True)
    y = g_ref[...] * (hc * lax.rsqrt(var + EPS)) + b_ref[...]
    o_ref[...] = jnp.maximum(y, 0.0)


def _bn_relu(hp, gamma, beta):
    return pl.pallas_call(
        _bn_body,
        in_specs=[
            pl.BlockSpec((NC * NPAD, COUT), lambda: (0, 0)),
            pl.BlockSpec((1, COUT), lambda: (0, 0)),
            pl.BlockSpec((1, COUT), lambda: (0, 0)),
        ],
        out_specs=pl.BlockSpec((N, COUT), lambda: (0, 0)),
        out_shape=jax.ShapeDtypeStruct((N, COUT), jnp.float32),
    )(hp, gamma, beta)


def kernel(x, edge_index, kernel_idx, W, gamma, beta):
    Z = _z_matmul(x, W)
    Z2 = Z.reshape(K * N, COUT)
    hp = _sc_edges()(Z2, edge_index.reshape(2 * E), kernel_idx)
    return _bn_relu(hp, gamma.reshape(1, COUT), beta.reshape(1, COUT))

# --- scband reference (transcript-rebuilt; emitter-appended) ---
"""Pipeline reference for scband-mink-conv-bnrelu-82669530513900 (READ-ONLY COPY).

The authoritative reference and input builder live on the scoring server;
editing this copy changes nothing except your own understanding.
"""

import jax, jax.numpy as jnp
import numpy as np

N = 10000      # number of sparse voxels (points)
E = 320000     # number of neighbor-map entries (in->out pairs)
CIN = 128
COUT = 128
K = 27         # kernel volume for kernel_size=3, dimension=3
EPS = 1e-5


def setup_inputs(seed: int = 0) -> dict:
    key = jax.random.key(seed)
    k1, k2, k3, k4 = jax.random.split(key, 4)
    x = jax.random.normal(k1, (N, CIN), dtype=jnp.float32)
    # neighbor map: row 0 = src (input coord idx), row 1 = dst (output coord idx)
    edge_index = jax.random.randint(k2, (2, E), 0, N, dtype=jnp.int32)
    # which kernel offset each (src,dst) pair corresponds to
    kernel_idx = jax.random.randint(k3, (E,), 0, K, dtype=jnp.int32)
    # MinkowskiConvolution kernel: [kernel_volume, in_channels, out_channels]
    W = jax.random.normal(k4, (K, CIN, COUT), dtype=jnp.float32) * 0.05
    # MinkowskiBatchNorm params (training mode -> batch statistics)
    gamma = jnp.ones((COUT,), dtype=jnp.float32)
    beta = jnp.zeros((COUT,), dtype=jnp.float32)
    return {"x": x, "edge_index": edge_index, "kernel_idx": kernel_idx,
            "W": W, "gamma": gamma, "beta": beta}


def reference(x, edge_index, kernel_idx, W, gamma, beta):
    # --- MinkowskiConvolution: gather -> per-kernel-offset accumulate -> matmul ---
    src = edge_index[0]
    dst = edge_index[1]
    gathered = jnp.take(x, src, axis=0)                      # [E, CIN] gather
    seg = dst.astype(jnp.int32) * K + kernel_idx.astype(jnp.int32)
    agg = jax.ops.segment_sum(gathered, seg, num_segments=N * K)  # [N*K, CIN] scatter-add
    agg = agg.reshape(N, K, CIN)
    h = jnp.einsum('nkc,kco->no', agg, W)                    # [N, COUT]
    # --- MinkowskiBatchNorm (training mode, batch statistics over all points) ---
    mean = jnp.mean(h, axis=0)
    var = jnp.var(h, axis=0)
    hn = (h - mean) / jnp.sqrt(var + EPS)
    y = gamma * hn + beta
    # --- MinkowskiReLU ---
    out = jax.nn.relu(y)
    # features already float32 (mirrors assign_feats float() cast)
    return out

if __name__ == "__main__":
    import jax
    _d = setup_inputs()
    print(jax.jit(kernel)(*tuple(_d.values())))

</pallas_src>

<mosaic_0001>
#map = affine_map<(d0, d1) -> (0, 0)>
#map1 = affine_map<(d0, d1) -> (0)>
module attributes {stable_mosaic.version = 14 : i64} {
  func.func @_sc_body(%arg0: i32, %arg1: i32, %arg2: memref<270000x128xf32, #tpu.memory_space<hbm>>, %arg3: memref<640000xi32, #tpu.memory_space<hbm>>, %arg4: memref<320000xi32, #tpu.memory_space<hbm>>, %arg5: memref<20480x128xf32, #tpu.memory_space<hbm>>, %arg6: memref<10000xi32, #tpu.memory_space<vmem>>, %arg7: memref<2000xi32, #tpu.memory_space<vmem>>, %arg8: memref<80xi32, #tpu.memory_space<vmem>>, %arg9: memref<80x128xf32, #tpu.memory_space<vmem>>, %arg10: memref<80xi32, #tpu.memory_space<vmem>>, %arg11: memref<80x128xf32, #tpu.memory_space<vmem>>, %arg12: memref<80xi32, #tpu.memory_space<vmem>>, %arg13: memref<80x128xf32, #tpu.memory_space<vmem>>, %arg14: memref<40x128xf32, #tpu.memory_space<vmem>>, %arg15: memref<10240x128xf32, #tpu.memory_space<vmem_shared>>, %arg16: memref<!tpu.dma_semaphore, #tpu.memory_space<semaphore_mem>>, %arg17: memref<!tpu.dma_semaphore, #tpu.memory_space<semaphore_mem>>, %arg18: memref<!tpu.dma_semaphore, #tpu.memory_space<semaphore_mem>>) attributes {dimension_semantics = [#tpu.dimension_semantics<core_parallel>, #tpu.dimension_semantics<subcore_parallel>], iteration_bounds = array<i64: 2, 16>, scalar_prefetch = 0 : i64, scratch_operands = 13 : i64, tpu.core_type = #tpu.core_type<sc_vector_subcore>, window_params = [{transform_indices = #map}, {transform_indices = #map1}, {transform_indices = #map1}, {transform_indices = #map}]} {
    %mul3A = arith.constant 2 : i32
    %mul3A_0 = arith.muli %arg1, %mul3A : i32
    %add3A = arith.addi %mul3A_0, %arg0 : i32
    %mul3A_1 = arith.constant 10000 : i32
    %mul3A_2 = arith.muli %add3A, %mul3A_1 : i32
    "tpu.region"() ({
      %run_scoped3A = tpu.sem_alloc : memref<!tpu.dma_semaphore, #tpu.memory_space<semaphore_mem>>
      %dma_start3A_120 = tpu.memref_slice %arg3[%mul3A_2] : memref<640000xi32, #tpu.memory_space<hbm>> -> memref<10000xi32, #tpu.memory_space<hbm>>
      %dma_start3A_121 = tpu.memref_slice %arg3[%mul3A_2] : memref<640000xi32, #tpu.memory_space<hbm>> -> memref<10000xi32, #tpu.memory_space<hbm>>
      tpu.enqueue_dma source(%dma_start3A_121 : memref<10000xi32, #tpu.memory_space<hbm>>) target(%arg6 : memref<10000xi32, #tpu.memory_space<vmem>>) target_semaphore(%run_scoped3A : memref<!tpu.dma_semaphore, #tpu.memory_space<semaphore_mem>>)
      %dma_wait3A_122 = tpu.memref_slice %arg3[%mul3A_2] : memref<640000xi32, #tpu.memory_space<hbm>> -> memref<10000xi32, #tpu.memory_space<hbm>>
      %dma_wait3A_123 = tpu.memref_slice %arg3[%mul3A_2] : memref<640000xi32, #tpu.memory_space<hbm>> -> memref<10000xi32, #tpu.memory_space<hbm>>
      tpu.wait_dma2 semaphore(%run_scoped3A : memref<!tpu.dma_semaphore, #tpu.memory_space<semaphore_mem>>) src(%dma_wait3A_123 : memref<10000xi32, #tpu.memory_space<hbm>>) dst(%arg6 : memref<10000xi32, #tpu.memory_space<vmem>>)
      tpu.yield
    }) : () -> ()
    %add3A_3 = arith.constant 0 : i32
    %add3A_4 = arith.addi %mul3A_2, %add3A_3 : i32
    "tpu.region"() ({
      %run_scoped3A = tpu.sem_alloc : memref<!tpu.dma_semaphore, #tpu.memory_space<semaphore_mem>>
      %dma_start3A_120 = tpu.memref_slice %arg4[%add3A_4] : memref<320000xi32, #tpu.memory_space<hbm>> -> memref<2000xi32, #tpu.memory_space<hbm>>
      %dma_start3A_121 = tpu.memref_slice %arg4[%add3A_4] : memref<320000xi32, #tpu.memory_space<hbm>> -> memref<2000xi32, #tpu.memory_space<hbm>>
      tpu.enqueue_dma source(%dma_start3A_121 : memref<2000xi32, #tpu.memory_space<hbm>>) target(%arg7 : memref<2000xi32, #tpu.memory_space<vmem>>) target_semaphore(%run_scoped3A : memref<!tpu.dma_semaphore, #tpu.memory_space<semaphore_mem>>)
      %dma_wait3A_122 = tpu.memref_slice %arg4[%add3A_4] : memref<320000xi32, #tpu.memory_space<hbm>> -> memref<2000xi32, #tpu.memory_space<hbm>>
      %dma_wait3A_123 = tpu.memref_slice %arg4[%add3A_4] : memref<320000xi32, #tpu.memory_space<hbm>> -> memref<2000xi32, #tpu.memory_space<hbm>>
      tpu.wait_dma2 semaphore(%run_scoped3A : memref<!tpu.dma_semaphore, #tpu.memory_space<semaphore_mem>>) src(%dma_wait3A_123 : memref<2000xi32, #tpu.memory_space<hbm>>) dst(%arg7 : memref<2000xi32, #tpu.memory_space<vmem>>)
      tpu.yield
    }) : () -> ()
    %scan3A = arith.constant 0 : i32
    %scan3A_5 = arith.constant 0 : i32
    %scan3A_6 = arith.constant 125 : i32
    %scan3A_7 = arith.addi %scan3A_5, %scan3A_6 : i32
    %scan3A_8 = arith.constant 1 : i32
    scf.for %scan3A_120 = %scan3A_5 to %scan3A_7 step %scan3A_8  : i32 {
      %mul3A_121 = arith.constant 16 : i32
      %mul3A_122 = arith.muli %scan3A_120, %mul3A_121 : i32
      %mul3A_123 = arith.constant 16 : i32
      %mul3A_124 = arith.muli %scan3A_120, %mul3A_123 : i32
      %add3A_125 = arith.constant 0 : i32
      %add3A_126 = arith.addi %add3A_125, %mul3A_124 : i32
      %get3A = arith.index_cast %mul3A_122 : i32 to index
      %get3A_127 = tpu.vector_load %arg7[%get3A] {strides = array<i32>} : memref<2000xi32, #tpu.memory_space<vmem>>, vector<16xi32>,
      %get3A_128 = vector.shape_cast %get3A_127 : vector<16xi32> to vector<16xi32>
      %mul3A_129 = arith.constant 10000 : i32
      %mul3A_130 = vector.broadcast %mul3A_129 : i32 to vector<16xi32>
      %mul3A_131 = arith.muli %get3A_128, %mul3A_130 : vector<16xi32>
      %get3A_132 = arith.index_cast %add3A_126 : i32 to index
      %get3A_133 = tpu.vector_load %arg6[%get3A_132] {strides = array<i32>} : memref<10000xi32, #tpu.memory_space<vmem>>, vector<16xi32>,
      %get3A_134 = vector.shape_cast %get3A_133 : vector<16xi32> to vector<16xi32>
      %add3A_135 = arith.addi %mul3A_131, %get3A_134 : vector<16xi32>
      %swap3A = arith.index_cast %add3A_126 : i32 to index
      %swap3A_136 = tpu.vector_load %arg6[%swap3A] {strides = array<i32>} : memref<10000xi32, #tpu.memory_space<vmem>>, vector<16xi32>,
      %swap3A_137 = vector.shape_cast %swap3A_136 : vector<16xi32> to vector<16xi32>
      %swap3A_138 = vector.shape_cast %add3A_135 : vector<16xi32> to vector<16xi32>
      tpu.vector_store %arg6[%swap3A], %swap3A_138 {strides = array<i32>} : memref<10000xi32, #tpu.memory_space<vmem>>, vector<16xi32>,
    }
    %scan3A_9 = arith.constant 125 : i32
    %add3A_10 = arith.constant 2000 : i32
    %add3A_11 = arith.addi %mul3A_2, %add3A_10 : i32
    "tpu.region"() ({
      %run_scoped3A = tpu.sem_alloc : memref<!tpu.dma_semaphore, #tpu.memory_space<semaphore_mem>>
      %dma_start3A_120 = tpu.memref_slice %arg4[%add3A_11] : memref<320000xi32, #tpu.memory_space<hbm>> -> memref<2000xi32, #tpu.memory_space<hbm>>
      %dma_start3A_121 = tpu.memref_slice %arg4[%add3A_11] : memref<320000xi32, #tpu.memory_space<hbm>> -> memref<2000xi32, #tpu.memory_space<hbm>>
      tpu.enqueue_dma source(%dma_start3A_121 : memref<2000xi32, #tpu.memory_space<hbm>>) target(%arg7 : memref<2000xi32, #tpu.memory_space<vmem>>) target_semaphore(%run_scoped3A : memref<!tpu.dma_semaphore, #tpu.memory_space<semaphore_mem>>)
      %dma_wait3A_122 = tpu.memref_slice %arg4[%add3A_11] : memref<320000xi32, #tpu.memory_space<hbm>> -> memref<2000xi32, #tpu.memory_space<hbm>>
      %dma_wait3A_123 = tpu.memref_slice %arg4[%add3A_11] : memref<320000xi32, #tpu.memory_space<hbm>> -> memref<2000xi32, #tpu.memory_space<hbm>>
      tpu.wait_dma2 semaphore(%run_scoped3A : memref<!tpu.dma_semaphore, #tpu.memory_space<semaphore_mem>>) src(%dma_wait3A_123 : memref<2000xi32, #tpu.memory_space<hbm>>) dst(%arg7 : memref<2000xi32, #tpu.memory_space<vmem>>)
      tpu.yield
    }) : () -> ()
    %scan3A_12 = arith.constant 0 : i32
    %scan3A_13 = arith.constant 0 : i32
    %scan3A_14 = arith.constant 125 : i32
    %scan3A_15 = arith.addi %scan3A_13, %scan3A_14 : i32
    %scan3A_16 = arith.constant 1 : i32
    scf.for %scan3A_120 = %scan3A_13 to %scan3A_15 step %scan3A_16  : i32 {
      %mul3A_121 = arith.constant 16 : i32
      %mul3A_122 = arith.muli %scan3A_120, %mul3A_121 : i32
      %mul3A_123 = arith.constant 16 : i32
      %mul3A_124 = arith.muli %scan3A_120, %mul3A_123 : i32
      %add3A_125 = arith.constant 2000 : i32
      %add3A_126 = arith.addi %add3A_125, %mul3A_124 : i32
      %get3A = arith.index_cast %mul3A_122 : i32 to index
      %get3A_127 = tpu.vector_load %arg7[%get3A] {strides = array<i32>} : memref<2000xi32, #tpu.memory_space<vmem>>, vector<16xi32>,
      %get3A_128 = vector.shape_cast %get3A_127 : vector<16xi32> to vector<16xi32>
      %mul3A_129 = arith.constant 10000 : i32
      %mul3A_130 = vector.broadcast %mul3A_129 : i32 to vector<16xi32>
      %mul3A_131 = arith.muli %get3A_128, %mul3A_130 : vector<16xi32>
      %get3A_132 = arith.index_cast %add3A_126 : i32 to index
      %get3A_133 = tpu.vector_load %arg6[%get3A_132] {strides = array<i32>} : memref<10000xi32, #tpu.memory_space<vmem>>, vector<16xi32>,
      %get3A_134 = vector.shape_cast %get3A_133 : vector<16xi32> to vector<16xi32>
      %add3A_135 = arith.addi %mul3A_131, %get3A_134 : vector<16xi32>
      %swap3A = arith.index_cast %add3A_126 : i32 to index
      %swap3A_136 = tpu.vector_load %arg6[%swap3A] {strides = array<i32>} : memref<10000xi32, #tpu.memory_space<vmem>>, vector<16xi32>,
      %swap3A_137 = vector.shape_cast %swap3A_136 : vector<16xi32> to vector<16xi32>
      %swap3A_138 = vector.shape_cast %add3A_135 : vector<16xi32> to vector<16xi32>
      tpu.vector_store %arg6[%swap3A], %swap3A_138 {strides = array<i32>} : memref<10000xi32, #tpu.memory_space<vmem>>, vector<16xi32>,
    }
    %scan3A_17 = arith.constant 125 : i32
    %add3A_18 = arith.constant 4000 : i32
    %add3A_19 = arith.addi %mul3A_2, %add3A_18 : i32
    "tpu.region"() ({
      %run_scoped3A = tpu.sem_alloc : memref<!tpu.dma_semaphore, #tpu.memory_space<semaphore_mem>>
      %dma_start3A_120 = tpu.memref_slice %arg4[%add3A_19] : memref<320000xi32, #tpu.memory_space<hbm>> -> memref<2000xi32, #tpu.memory_space<hbm>>
      %dma_start3A_121 = tpu.memref_slice %arg4[%add3A_19] : memref<320000xi32, #tpu.memory_space<hbm>> -> memref<2000xi32, #tpu.memory_space<hbm>>
      tpu.enqueue_dma source(%dma_start3A_121 : memref<2000xi32, #tpu.memory_space<hbm>>) target(%arg7 : memref<2000xi32, #tpu.memory_space<vmem>>) target_semaphore(%run_scoped3A : memref<!tpu.dma_semaphore, #tpu.memory_space<semaphore_mem>>)
      %dma_wait3A_122 = tpu.memref_slice %arg4[%add3A_19] : memref<320000xi32, #tpu.memory_space<hbm>> -> memref<2000xi32, #tpu.memory_space<hbm>>
      %dma_wait3A_123 = tpu.memref_slice %arg4[%add3A_19] : memref<320000xi32, #tpu.memory_space<hbm>> -> memref<2000xi32, #tpu.memory_space<hbm>>
      tpu.wait_dma2 semaphore(%run_scoped3A : memref<!tpu.dma_semaphore, #tpu.memory_space<semaphore_mem>>) src(%dma_wait3A_123 : memref<2000xi32, #tpu.memory_space<hbm>>) dst(%arg7 : memref<2000xi32, #tpu.memory_space<vmem>>)
      tpu.yield
    }) : () -> ()
    %scan3A_20 = arith.constant 0 : i32
    %scan3A_21 = arith.constant 0 : i32
    %scan3A_22 = arith.constant 125 : i32
    %scan3A_23 = arith.addi %scan3A_21, %scan3A_22 : i32
    %scan3A_24 = arith.constant 1 : i32
    scf.for %scan3A_120 = %scan3A_21 to %scan3A_23 step %scan3A_24  : i32 {
      %mul3A_121 = arith.constant 16 : i32
      %mul3A_122 = arith.muli %scan3A_120, %mul3A_121 : i32
      %mul3A_123 = arith.constant 16 : i32
      %mul3A_124 = arith.muli %scan3A_120, %mul3A_123 : i32
      %add3A_125 = arith.constant 4000 : i32
      %add3A_126 = arith.addi %add3A_125, %mul3A_124 : i32
      %get3A = arith.index_cast %mul3A_122 : i32 to index
      %get3A_127 = tpu.vector_load %arg7[%get3A] {strides = array<i32>} : memref<2000xi32, #tpu.memory_space<vmem>>, vector<16xi32>,
      %get3A_128 = vector.shape_cast %get3A_127 : vector<16xi32> to vector<16xi32>
      %mul3A_129 = arith.constant 10000 : i32
      %mul3A_130 = vector.broadcast %mul3A_129 : i32 to vector<16xi32>
      %mul3A_131 = arith.muli %get3A_128, %mul3A_130 : vector<16xi32>
      %get3A_132 = arith.index_cast %add3A_126 : i32 to index
      %get3A_133 = tpu.vector_load %arg6[%get3A_132] {strides = array<i32>} : memref<10000xi32, #tpu.memory_space<vmem>>, vector<16xi32>,
      %get3A_134 = vector.shape_cast %get3A_133 : vector<16xi32> to vector<16xi32>
      %add3A_135 = arith.addi %mul3A_131, %get3A_134 : vector<16xi32>
      %swap3A = arith.index_cast %add3A_126 : i32 to index
      %swap3A_136 = tpu.vector_load %arg6[%swap3A] {strides = array<i32>} : memref<10000xi32, #tpu.memory_space<vmem>>, vector<16xi32>,
      %swap3A_137 = vector.shape_cast %swap3A_136 : vector<16xi32> to vector<16xi32>
      %swap3A_138 = vector.shape_cast %add3A_135 : vector<16xi32> to vector<16xi32>
      tpu.vector_store %arg6[%swap3A], %swap3A_138 {strides = array<i32>} : memref<10000xi32, #tpu.memory_space<vmem>>, vector<16xi32>,
    }
    %scan3A_25 = arith.constant 125 : i32
    %add3A_26 = arith.constant 6000 : i32
    %add3A_27 = arith.addi %mul3A_2, %add3A_26 : i32
    "tpu.region"() ({
      %run_scoped3A = tpu.sem_alloc : memref<!tpu.dma_semaphore, #tpu.memory_space<semaphore_mem>>
      %dma_start3A_120 = tpu.memref_slice %arg4[%add3A_27] : memref<320000xi32, #tpu.memory_space<hbm>> -> memref<2000xi32, #tpu.memory_space<hbm>>
      %dma_start3A_121 = tpu.memref_slice %arg4[%add3A_27] : memref<320000xi32, #tpu.memory_space<hbm>> -> memref<2000xi32, #tpu.memory_space<hbm>>
      tpu.enqueue_dma source(%dma_start3A_121 : memref<2000xi32, #tpu.memory_space<hbm>>) target(%arg7 : memref<2000xi32, #tpu.memory_space<vmem>>) target_semaphore(%run_scoped3A : memref<!tpu.dma_semaphore, #tpu.memory_space<semaphore_mem>>)
      %dma_wait3A_122 = tpu.memref_slice %arg4[%add3A_27] : memref<320000xi32, #tpu.memory_space<hbm>> -> memref<2000xi32, #tpu.memory_space<hbm>>
      %dma_wait3A_123 = tpu.memref_slice %arg4[%add3A_27] : memref<320000xi32, #tpu.memory_space<hbm>> -> memref<2000xi32, #tpu.memory_space<hbm>>
      tpu.wait_dma2 semaphore(%run_scoped3A : memref<!tpu.dma_semaphore, #tpu.memory_space<semaphore_mem>>) src(%dma_wait3A_123 : memref<2000xi32, #tpu.memory_space<hbm>>) dst(%arg7 : memref<2000xi32, #tpu.memory_space<vmem>>)
      tpu.yield
    }) : () -> ()
    %scan3A_28 = arith.constant 0 : i32
    %scan3A_29 = arith.constant 0 : i32
    %scan3A_30 = arith.constant 125 : i32
    %scan3A_31 = arith.addi %scan3A_29, %scan3A_30 : i32
    %scan3A_32 = arith.constant 1 : i32
    scf.for %scan3A_120 = %scan3A_29 to %scan3A_31 step %scan3A_32  : i32 {
      %mul3A_121 = arith.constant 16 : i32
      %mul3A_122 = arith.muli %scan3A_120, %mul3A_121 : i32
      %mul3A_123 = arith.constant 16 : i32
      %mul3A_124 = arith.muli %scan3A_120, %mul3A_123 : i32
      %add3A_125 = arith.constant 6000 : i32
      %add3A_126 = arith.addi %add3A_125, %mul3A_124 : i32
      %get3A = arith.index_cast %mul3A_122 : i32 to index
      %get3A_127 = tpu.vector_load %arg7[%get3A] {strides = array<i32>} : memref<2000xi32, #tpu.memory_space<vmem>>, vector<16xi32>,
      %get3A_128 = vector.shape_cast %get3A_127 : vector<16xi32> to vector<16xi32>
      %mul3A_129 = arith.constant 10000 : i32
      %mul3A_130 = vector.broadcast %mul3A_129 : i32 to vector<16xi32>
      %mul3A_131 = arith.muli %get3A_128, %mul3A_130 : vector<16xi32>
      %get3A_132 = arith.index_cast %add3A_126 : i32 to index
      %get3A_133 = tpu.vector_load %arg6[%get3A_132] {strides = array<i32>} : memref<10000xi32, #tpu.memory_space<vmem>>, vector<16xi32>,
      %get3A_134 = vector.shape_cast %get3A_133 : vector<16xi32> to vector<16xi32>
      %add3A_135 = arith.addi %mul3A_131, %get3A_134 : vector<16xi32>
      %swap3A = arith.index_cast %add3A_126 : i32 to index
      %swap3A_136 = tpu.vector_load %arg6[%swap3A] {strides = array<i32>} : memref<10000xi32, #tpu.memory_space<vmem>>, vector<16xi32>,
      %swap3A_137 = vector.shape_cast %swap3A_136 : vector<16xi32> to vector<16xi32>
      %swap3A_138 = vector.shape_cast %add3A_135 : vector<16xi32> to vector<16xi32>
      tpu.vector_store %arg6[%swap3A], %swap3A_138 {strides = array<i32>} : memref<10000xi32, #tpu.memory_space<vmem>>, vector<16xi32>,
    }
    %scan3A_33 = arith.constant 125 : i32
    %add3A_34 = arith.constant 8000 : i32
    %add3A_35 = arith.addi %mul3A_2, %add3A_34 : i32
    "tpu.region"() ({
      %run_scoped3A = tpu.sem_alloc : memref<!tpu.dma_semaphore, #tpu.memory_space<semaphore_mem>>
      %dma_start3A_120 = tpu.memref_slice %arg4[%add3A_35] : memref<320000xi32, #tpu.memory_space<hbm>> -> memref<2000xi32, #tpu.memory_space<hbm>>
      %dma_start3A_121 = tpu.memref_slice %arg4[%add3A_35] : memref<320000xi32, #tpu.memory_space<hbm>> -> memref<2000xi32, #tpu.memory_space<hbm>>
      tpu.enqueue_dma source(%dma_start3A_121 : memref<2000xi32, #tpu.memory_space<hbm>>) target(%arg7 : memref<2000xi32, #tpu.memory_space<vmem>>) target_semaphore(%run_scoped3A : memref<!tpu.dma_semaphore, #tpu.memory_space<semaphore_mem>>)
      %dma_wait3A_122 = tpu.memref_slice %arg4[%add3A_35] : memref<320000xi32, #tpu.memory_space<hbm>> -> memref<2000xi32, #tpu.memory_space<hbm>>
      %dma_wait3A_123 = tpu.memref_slice %arg4[%add3A_35] : memref<320000xi32, #tpu.memory_space<hbm>> -> memref<2000xi32, #tpu.memory_space<hbm>>
      tpu.wait_dma2 semaphore(%run_scoped3A : memref<!tpu.dma_semaphore, #tpu.memory_space<semaphore_mem>>) src(%dma_wait3A_123 : memref<2000xi32, #tpu.memory_space<hbm>>) dst(%arg7 : memref<2000xi32, #tpu.memory_space<vmem>>)
      tpu.yield
    }) : () -> ()
    %scan3A_36 = arith.constant 0 : i32
    %scan3A_37 = arith.constant 0 : i32
    %scan3A_38 = arith.constant 125 : i32
    %scan3A_39 = arith.addi %scan3A_37, %scan3A_38 : i32
    %scan3A_40 = arith.constant 1 : i32
    scf.for %scan3A_120 = %scan3A_37 to %scan3A_39 step %scan3A_40  : i32 {
      %mul3A_121 = arith.constant 16 : i32
      %mul3A_122 = arith.muli %scan3A_120, %mul3A_121 : i32
      %mul3A_123 = arith.constant 16 : i32
      %mul3A_124 = arith.muli %scan3A_120, %mul3A_123 : i32
      %add3A_125 = arith.constant 8000 : i32
      %add3A_126 = arith.addi %add3A_125, %mul3A_124 : i32
      %get3A = arith.index_cast %mul3A_122 : i32 to index
      %get3A_127 = tpu.vector_load %arg7[%get3A] {strides = array<i32>} : memref<2000xi32, #tpu.memory_space<vmem>>, vector<16xi32>,
      %get3A_128 = vector.shape_cast %get3A_127 : vector<16xi32> to vector<16xi32>
      %mul3A_129 = arith.constant 10000 : i32
      %mul3A_130 = vector.broadcast %mul3A_129 : i32 to vector<16xi32>
      %mul3A_131 = arith.muli %get3A_128, %mul3A_130 : vector<16xi32>
      %get3A_132 = arith.index_cast %add3A_126 : i32 to index
      %get3A_133 = tpu.vector_load %arg6[%get3A_132] {strides = array<i32>} : memref<10000xi32, #tpu.memory_space<vmem>>, vector<16xi32>,
      %get3A_134 = vector.shape_cast %get3A_133 : vector<16xi32> to vector<16xi32>
      %add3A_135 = arith.addi %mul3A_131, %get3A_134 : vector<16xi32>
      %swap3A = arith.index_cast %add3A_126 : i32 to index
      %swap3A_136 = tpu.vector_load %arg6[%swap3A] {strides = array<i32>} : memref<10000xi32, #tpu.memory_space<vmem>>, vector<16xi32>,
      %swap3A_137 = vector.shape_cast %swap3A_136 : vector<16xi32> to vector<16xi32>
      %swap3A_138 = vector.shape_cast %add3A_135 : vector<16xi32> to vector<16xi32>
      tpu.vector_store %arg6[%swap3A], %swap3A_138 {strides = array<i32>} : memref<10000xi32, #tpu.memory_space<vmem>>, vector<16xi32>,
    }
    %scan3A_41 = arith.constant 125 : i32
    %add3A_42 = arith.constant 320000 : i32
    %add3A_43 = arith.addi %add3A_42, %mul3A_2 : i32
    %add3A_44 = arith.constant 0 : i32
    %add3A_45 = arith.addi %add3A_43, %add3A_44 : i32
    %dma_start3A = tpu.memref_slice %arg3[%add3A_45] : memref<640000xi32, #tpu.memory_space<hbm>> -> memref<80xi32, #tpu.memory_space<hbm>>
    %dma_start3A_46 = tpu.memref_slice %arg3[%add3A_45] : memref<640000xi32, #tpu.memory_space<hbm>> -> memref<80xi32, #tpu.memory_space<hbm>>
    tpu.enqueue_dma source(%dma_start3A_46 : memref<80xi32, #tpu.memory_space<hbm>>) target(%arg8 : memref<80xi32, #tpu.memory_space<vmem>>) target_semaphore(%arg16 : memref<!tpu.dma_semaphore, #tpu.memory_space<semaphore_mem>>)
    %dma_start3A_47 = arith.constant 0 : i32
    %dma_start3A_48 = tpu.memref_slice %arg6[%dma_start3A_47] : memref<10000xi32, #tpu.memory_space<vmem>> -> memref<80xi32, #tpu.memory_space<vmem>>
    %dma_start3A_49 = arith.constant 0 : i32
    %dma_start3A_50 = arith.constant 0 : i32
    %dma_start3A_51 = tpu.memref_slice %arg2[%dma_start3A_49, %dma_start3A_50] : memref<270000x128xf32, #tpu.memory_space<hbm>> -> memref<270000x128xf32, #tpu.memory_space<hbm>>
    tpu.enqueue_indirect_dma source(%dma_start3A_51 : memref<270000x128xf32, #tpu.memory_space<hbm>>) target(%arg9 : memref<80x128xf32, #tpu.memory_space<vmem>>) offsets(%dma_start3A_48 : memref<80xi32, #tpu.memory_space<vmem>>) semaphore(%arg16 : memref<!tpu.dma_semaphore, #tpu.memory_space<semaphore_mem>>)
    %add3A_52 = arith.constant 320000 : i32
    %add3A_53 = arith.addi %add3A_52, %mul3A_2 : i32
    %add3A_54 = arith.constant 80 : i32
    %add3A_55 = arith.addi %add3A_53, %add3A_54 : i32
    %dma_start3A_56 = tpu.memref_slice %arg3[%add3A_55] : memref<640000xi32, #tpu.memory_space<hbm>> -> memref<80xi32, #tpu.memory_space<hbm>>
    %dma_start3A_57 = tpu.memref_slice %arg3[%add3A_55] : memref<640000xi32, #tpu.memory_space<hbm>> -> memref<80xi32, #tpu.memory_space<hbm>>
    tpu.enqueue_dma source(%dma_start3A_57 : memref<80xi32, #tpu.memory_space<hbm>>) target(%arg10 : memref<80xi32, #tpu.memory_space<vmem>>) target_semaphore(%arg17 : memref<!tpu.dma_semaphore, #tpu.memory_space<semaphore_mem>>)
    %dma_start3A_58 = arith.constant 80 : i32
    %dma_start3A_59 = tpu.memref_slice %arg6[%dma_start3A_58] : memref<10000xi32, #tpu.memory_space<vmem>> -> memref<80xi32, #tpu.memory_space<vmem>>
    %dma_start3A_60 = arith.constant 0 : i32
    %dma_start3A_61 = arith.constant 0 : i32
    %dma_start3A_62 = tpu.memref_slice %arg2[%dma_start3A_60, %dma_start3A_61] : memref<270000x128xf32, #tpu.memory_space<hbm>> -> memref<270000x128xf32, #tpu.memory_space<hbm>>
    tpu.enqueue_indirect_dma source(%dma_start3A_62 : memref<270000x128xf32, #tpu.memory_space<hbm>>) target(%arg11 : memref<80x128xf32, #tpu.memory_space<vmem>>) offsets(%dma_start3A_59 : memref<80xi32, #tpu.memory_space<vmem>>) semaphore(%arg17 : memref<!tpu.dma_semaphore, #tpu.memory_space<semaphore_mem>>)
    %add3A_63 = arith.constant 320000 : i32
    %add3A_64 = arith.addi %add3A_63, %mul3A_2 : i32
    %add3A_65 = arith.constant 160 : i32
    %add3A_66 = arith.addi %add3A_64, %add3A_65 : i32
    %dma_start3A_67 = tpu.memref_slice %arg3[%add3A_66] : memref<640000xi32, #tpu.memory_space<hbm>> -> memref<80xi32, #tpu.memory_space<hbm>>
    %dma_start3A_68 = tpu.memref_slice %arg3[%add3A_66] : memref<640000xi32, #tpu.memory_space<hbm>> -> memref<80xi32, #tpu.memory_space<hbm>>
    tpu.enqueue_dma source(%dma_start3A_68 : memref<80xi32, #tpu.memory_space<hbm>>) target(%arg12 : memref<80xi32, #tpu.memory_space<vmem>>) target_semaphore(%arg18 : memref<!tpu.dma_semaphore, #tpu.memory_space<semaphore_mem>>)
    %dma_start3A_69 = arith.constant 160 : i32
    %dma_start3A_70 = tpu.memref_slice %arg6[%dma_start3A_69] : memref<10000xi32, #tpu.memory_space<vmem>> -> memref<80xi32, #tpu.memory_space<vmem>>
    %dma_start3A_71 = arith.constant 0 : i32
    %dma_start3A_72 = arith.constant 0 : i32
    %dma_start3A_73 = tpu.memref_slice %arg2[%dma_start3A_71, %dma_start3A_72] : memref<270000x128xf32, #tpu.memory_space<hbm>> -> memref<270000x128xf32, #tpu.memory_space<hbm>>
    tpu.enqueue_indirect_dma source(%dma_start3A_73 : memref<270000x128xf32, #tpu.memory_space<hbm>>) target(%arg13 : memref<80x128xf32, #tpu.memory_space<vmem>>) offsets(%dma_start3A_70 : memref<80xi32, #tpu.memory_space<vmem>>) semaphore(%arg18 : memref<!tpu.dma_semaphore, #tpu.memory_space<semaphore_mem>>)
    %broadcast_in_dim3A = arith.constant 0.000000e+00 : f32
    %broadcast_in_dim3A_74 = vector.broadcast %broadcast_in_dim3A : f32 to vector<16xf32>
    %scan3A_75 = arith.constant 0 : i32
    %scan3A_76 = arith.constant 0 : i32
    %scan3A_77 = arith.constant 40 : i32
    %scan3A_78 = arith.addi %scan3A_76, %scan3A_77 : i32
    %scan3A_79 = arith.constant 1 : i32
    scf.for %scan3A_120 = %scan3A_76 to %scan3A_78 step %scan3A_79  : i32 {
      %swap3A = arith.index_cast %scan3A_120 : i32 to index
      %swap3A_121 = arith.constant 0 : index
      %swap3A_122 = tpu.vector_load %arg14[%swap3A, %swap3A_121] {strides = array<i32>} : memref<40x128xf32, #tpu.memory_space<vmem>>, vector<1x16xf32>,
      %swap3A_123 = vector.shape_cast %swap3A_122 : vector<1x16xf32> to vector<16xf32>
      %swap3A_124 = vector.shape_cast %broadcast_in_dim3A_74 : vector<16xf32> to vector<1x16xf32>
      tpu.vector_store %arg14[%swap3A, %swap3A_121], %swap3A_124 {strides = array<i32>} : memref<40x128xf32, #tpu.memory_space<vmem>>, vector<1x16xf32>,
      %swap3A_125 = arith.index_cast %scan3A_120 : i32 to index
      %swap3A_126 = arith.constant 16 : index
      %swap3A_127 = tpu.vector_load %arg14[%swap3A_125, %swap3A_126] {strides = array<i32>} : memref<40x128xf32, #tpu.memory_space<vmem>>, vector<1x16xf32>,
      %swap3A_128 = vector.shape_cast %swap3A_127 : vector<1x16xf32> to vector<16xf32>
      %swap3A_129 = vector.shape_cast %broadcast_in_dim3A_74 : vector<16xf32> to vector<1x16xf32>
      tpu.vector_store %arg14[%swap3A_125, %swap3A_126], %swap3A_129 {strides = array<i32>} : memref<40x128xf32, #tpu.memory_space<vmem>>, vector<1x16xf32>,
      %swap3A_130 = arith.index_cast %scan3A_120 : i32 to index
      %swap3A_131 = arith.constant 32 : index
      %swap3A_132 = tpu.vector_load %arg14[%swap3A_130, %swap3A_131] {strides = array<i32>} : memref<40x128xf32, #tpu.memory_space<vmem>>, vector<1x16xf32>,
      %swap3A_133 = vector.shape_cast %swap3A_132 : vector<1x16xf32> to vector<16xf32>
      %swap3A_134 = vector.shape_cast %broadcast_in_dim3A_74 : vector<16xf32> to vector<1x16xf32>
      tpu.vector_store %arg14[%swap3A_130, %swap3A_131], %swap3A_134 {strides = array<i32>} : memref<40x128xf32, #tpu.memory_space<vmem>>, vector<1x16xf32>,
      %swap3A_135 = arith.index_cast %scan3A_120 : i32 to index
      %swap3A_136 = arith.constant 48 : index
      %swap3A_137 = tpu.vector_load %arg14[%swap3A_135, %swap3A_136] {strides = array<i32>} : memref<40x128xf32, #tpu.memory_space<vmem>>, vector<1x16xf32>,
      %swap3A_138 = vector.shape_cast %swap3A_137 : vector<1x16xf32> to vector<16xf32>
      %swap3A_139 = vector.shape_cast %broadcast_in_dim3A_74 : vector<16xf32> to vector<1x16xf32>
      tpu.vector_store %arg14[%swap3A_135, %swap3A_136], %swap3A_139 {strides = array<i32>} : memref<40x128xf32, #tpu.memory_space<vmem>>, vector<1x16xf32>,
      %swap3A_140 = arith.index_cast %scan3A_120 : i32 to index
      %swap3A_141 = arith.constant 64 : index
      %swap3A_142 = tpu.vector_load %arg14[%swap3A_140, %swap3A_141] {strides = array<i32>} : memref<40x128xf32, #tpu.memory_space<vmem>>, vector<1x16xf32>,
      %swap3A_143 = vector.shape_cast %swap3A_142 : vector<1x16xf32> to vector<16xf32>
      %swap3A_144 = vector.shape_cast %broadcast_in_dim3A_74 : vector<16xf32> to vector<1x16xf32>
      tpu.vector_store %arg14[%swap3A_140, %swap3A_141], %swap3A_144 {strides = array<i32>} : memref<40x128xf32, #tpu.memory_space<vmem>>, vector<1x16xf32>,
      %swap3A_145 = arith.index_cast %scan3A_120 : i32 to index
      %swap3A_146 = arith.constant 80 : index
      %swap3A_147 = tpu.vector_load %arg14[%swap3A_145, %swap3A_146] {strides = array<i32>} : memref<40x128xf32, #tpu.memory_space<vmem>>, vector<1x16xf32>,
      %swap3A_148 = vector.shape_cast %swap3A_147 : vector<1x16xf32> to vector<16xf32>
      %swap3A_149 = vector.shape_cast %broadcast_in_dim3A_74 : vector<16xf32> to vector<1x16xf32>
      tpu.vector_store %arg14[%swap3A_145, %swap3A_146], %swap3A_149 {strides = array<i32>} : memref<40x128xf32, #tpu.memory_space<vmem>>, vector<1x16xf32>,
      %swap3A_150 = arith.index_cast %scan3A_120 : i32 to index
      %swap3A_151 = arith.constant 96 : index
      %swap3A_152 = tpu.vector_load %arg14[%swap3A_150, %swap3A_151] {strides = array<i32>} : memref<40x128xf32, #tpu.memory_space<vmem>>, vector<1x16xf32>,
      %swap3A_153 = vector.shape_cast %swap3A_152 : vector<1x16xf32> to vector<16xf32>
      %swap3A_154 = vector.shape_cast %broadcast_in_dim3A_74 : vector<16xf32> to vector<1x16xf32>
      tpu.vector_store %arg14[%swap3A_150, %swap3A_151], %swap3A_154 {strides = array<i32>} : memref<40x128xf32, #tpu.memory_space<vmem>>, vector<1x16xf32>,
      %swap3A_155 = arith.index_cast %scan3A_120 : i32 to index
      %swap3A_156 = arith.constant 112 : index
      %swap3A_157 = tpu.vector_load %arg14[%swap3A_155, %swap3A_156] {strides = array<i32>} : memref<40x128xf32, #tpu.memory_space<vmem>>, vector<1x16xf32>,
      %swap3A_158 = vector.shape_cast %swap3A_157 : vector<1x16xf32> to vector<16xf32>
      %swap3A_159 = vector.shape_cast %broadcast_in_dim3A_74 : vector<16xf32> to vector<1x16xf32>
      tpu.vector_store %arg14[%swap3A_155, %swap3A_156], %swap3A_159 {strides = array<i32>} : memref<40x128xf32, #tpu.memory_space<vmem>>, vector<1x16xf32>,
    }
    %scan3A_80 = arith.constant 40 : i32
    %mul3A_81 = arith.constant 640 : i32
    %mul3A_82 = arith.muli %arg1, %mul3A_81 : i32
    %scan3A_83 = arith.constant 0 : i32
    %scan3A_84 = arith.constant 0 : i32
    %scan3A_85 = arith.constant 16 : i32
    %scan3A_86 = arith.addi %scan3A_84, %scan3A_85 : i32
    %scan3A_87 = arith.constant 1 : i32
    scf.for %scan3A_120 = %scan3A_84 to %scan3A_86 step %scan3A_87  : i32 {
      %mul3A_121 = arith.constant 40 : i32
      %mul3A_122 = arith.muli %scan3A_120, %mul3A_121 : i32
      %add3A_123 = arith.addi %mul3A_82, %mul3A_122 : i32
      "tpu.region"() ({
        %run_scoped3A = tpu.sem_alloc : memref<!tpu.dma_semaphore, #tpu.memory_space<semaphore_mem>>
        %dma_start3A_124 = arith.constant 0 : i32
        %dma_start3A_125 = tpu.memref_slice %arg15[%add3A_123, %dma_start3A_124] : memref<10240x128xf32, #tpu.memory_space<vmem_shared>> -> memref<40x128xf32, #tpu.memory_space<vmem_shared>>
        %dma_start3A_126 = arith.constant 0 : i32
        %dma_start3A_127 = tpu.memref_slice %arg15[%add3A_123, %dma_start3A_126] : memref<10240x128xf32, #tpu.memory_space<vmem_shared>> -> memref<40x128xf32, #tpu.memory_space<vmem_shared>>
        tpu.enqueue_dma source(%arg14 : memref<40x128xf32, #tpu.memory_space<vmem>>) target(%dma_start3A_127 : memref<40x128xf32, #tpu.memory_space<vmem_shared>>) target_semaphore(%run_scoped3A : memref<!tpu.dma_semaphore, #tpu.memory_space<semaphore_mem>>)
        %dma_wait3A_128 = arith.constant 0 : i32
        %dma_wait3A_129 = tpu.memref_slice %arg15[%add3A_123, %dma_wait3A_128] : memref<10240x128xf32, #tpu.memory_space<vmem_shared>> -> memref<40x128xf32, #tpu.memory_space<vmem_shared>>
        %dma_wait3A_130 = arith.constant 0 : i32
        %dma_wait3A_131 = tpu.memref_slice %arg15[%add3A_123, %dma_wait3A_130] : memref<10240x128xf32, #tpu.memory_space<vmem_shared>> -> memref<40x128xf32, #tpu.memory_space<vmem_shared>>
        tpu.wait_dma2 semaphore(%run_scoped3A : memref<!tpu.dma_semaphore, #tpu.memory_space<semaphore_mem>>) src(%arg14 : memref<40x128xf32, #tpu.memory_space<vmem>>) dst(%dma_wait3A_131 : memref<40x128xf32, #tpu.memory_space<vmem_shared>>)
        tpu.yield
      }) : () -> ()
    }
    %scan3A_88 = arith.constant 16 : i32
    %barrier3A = arith.constant 0 : index
    tpu.barrier barrier_id(%barrier3A)
    %scan3A_89 = arith.constant 0 : i32
    %scan3A_90 = arith.constant 0 : i32
    %scan3A_91 = arith.constant 41 : i32
    %scan3A_92 = arith.addi %scan3A_90, %scan3A_91 : i32
    %scan3A_93 = arith.constant 1 : i32
    scf.for %scan3A_120 = %scan3A_90 to %scan3A_92 step %scan3A_93  : i32 {
      %mul3A_121 = arith.constant 3 : i32
      %mul3A_122 = arith.muli %mul3A_121, %scan3A_120 : i32
      %mul3A_123 = arith.constant 80 : i32
      %mul3A_124 = arith.muli %mul3A_122, %mul3A_123 : i32
      %add3A_125 = arith.constant 320000 : i32
      %add3A_126 = arith.addi %add3A_125, %mul3A_2 : i32
      %add3A_127 = arith.addi %add3A_126, %mul3A_124 : i32
      %dma_wait3A_128 = tpu.memref_slice %arg3[%add3A_127] : memref<640000xi32, #tpu.memory_space<hbm>> -> memref<80xi32, #tpu.memory_space<hbm>>
      %dma_wait3A_129 = tpu.memref_slice %arg3[%add3A_127] : memref<640000xi32, #tpu.memory_space<hbm>> -> memref<80xi32, #tpu.memory_space<hbm>>
      tpu.wait_dma2 semaphore(%arg16 : memref<!tpu.dma_semaphore, #tpu.memory_space<semaphore_mem>>) src(%dma_wait3A_129 : memref<80xi32, #tpu.memory_space<hbm>>) dst(%arg8 : memref<80xi32, #tpu.memory_space<vmem>>)
      %dma_wait3A_130 = tpu.memref_slice %arg6[%mul3A_124] : memref<10000xi32, #tpu.memory_space<vmem>> -> memref<80xi32, #tpu.memory_space<vmem>>
      %dma_wait3A_131 = arith.constant 0 : i32
      %dma_wait3A_132 = arith.constant 0 : i32
      %dma_wait3A_133 = tpu.memref_slice %arg2[%dma_wait3A_131, %dma_wait3A_132] : memref<270000x128xf32, #tpu.memory_space<hbm>> -> memref<270000x128xf32, #tpu.memory_space<hbm>>
      tpu.wait_indirect_dma semaphore(%arg16 : memref<!tpu.dma_semaphore, #tpu.memory_space<semaphore_mem>>) src(%dma_wait3A_133 : memref<270000x128xf32, #tpu.memory_space<hbm>>) dst(%arg9 : memref<80x128xf32, #tpu.memory_space<vmem>>)
      "tpu.region"() ({
        %run_scoped3A = tpu.sem_alloc : memref<!tpu.dma_semaphore, #tpu.memory_space<semaphore_mem>>
        %dma_start3A_178 = arith.constant 0 : i32
        %dma_start3A_179 = arith.constant 0 : i32
        %dma_start3A_180 = tpu.memref_slice %arg15[%dma_start3A_178, %dma_start3A_179] : memref<10240x128xf32, #tpu.memory_space<vmem_shared>> -> memref<10240x128xf32, #tpu.memory_space<vmem_shared>>
        tpu.enqueue_indirect_dma source(%arg9 : memref<80x128xf32, #tpu.memory_space<vmem>>) target(%dma_start3A_180 : memref<10240x128xf32, #tpu.memory_space<vmem_shared>>) offsets(%arg8 : memref<80xi32, #tpu.memory_space<vmem>>) semaphore(%run_scoped3A : memref<!tpu.dma_semaphore, #tpu.memory_space<semaphore_mem>>) {add = true}
        %dma_wait3A_181 = arith.constant 0 : i32
        %dma_wait3A_182 = arith.constant 0 : i32
        %dma_wait3A_183 = tpu.memref_slice %arg15[%dma_wait3A_181, %dma_wait3A_182] : memref<10240x128xf32, #tpu.memory_space<vmem_shared>> -> memref<10240x128xf32, #tpu.memory_space<vmem_shared>>
        tpu.wait_indirect_dma semaphore(%run_scoped3A : memref<!tpu.dma_semaphore, #tpu.memory_space<semaphore_mem>>) src(%arg9 : memref<80x128xf32, #tpu.memory_space<vmem>>) dst(%dma_wait3A_183 : memref<10240x128xf32, #tpu.memory_space<vmem_shared>>)
        tpu.yield
      }) : () -> ()
      %add3A_134 = arith.constant 3 : i32
      %add3A_135 = arith.addi %mul3A_122, %add3A_134 : i32
      %lt3A = arith.constant 125 : i32
      %lt3A_136 = arith.cmpi slt, %add3A_135, %lt3A : i32
      %convert_element_type3A = arith.extui %lt3A_136 : i1 to i32
      %cond3A = arith.constant 0 : i32
      %cond3A_137 = arith.cmpi ne, %convert_element_type3A, %cond3A : i32
      scf.if %cond3A_137 {
        %add3A_178 = arith.constant 3 : i32
        %add3A_179 = arith.addi %mul3A_122, %add3A_178 : i32
        %mul3A_180 = arith.constant 80 : i32
        %mul3A_181 = arith.muli %add3A_179, %mul3A_180 : i32
        %add3A_182 = arith.constant 320000 : i32
        %add3A_183 = arith.addi %add3A_182, %mul3A_2 : i32
        %add3A_184 = arith.addi %add3A_183, %mul3A_181 : i32
        %dma_start3A_185 = tpu.memref_slice %arg3[%add3A_184] : memref<640000xi32, #tpu.memory_space<hbm>> -> memref<80xi32, #tpu.memory_space<hbm>>
        %dma_start3A_186 = tpu.memref_slice %arg3[%add3A_184] : memref<640000xi32, #tpu.memory_space<hbm>> -> memref<80xi32, #tpu.memory_space<hbm>>
        tpu.enqueue_dma source(%dma_start3A_186 : memref<80xi32, #tpu.memory_space<hbm>>) target(%arg8 : memref<80xi32, #tpu.memory_space<vmem>>) target_semaphore(%arg16 : memref<!tpu.dma_semaphore, #tpu.memory_space<semaphore_mem>>)
        %dma_start3A_187 = tpu.memref_slice %arg6[%mul3A_181] : memref<10000xi32, #tpu.memory_space<vmem>> -> memref<80xi32, #tpu.memory_space<vmem>>
        %dma_start3A_188 = arith.constant 0 : i32
        %dma_start3A_189 = arith.constant 0 : i32
        %dma_start3A_190 = tpu.memref_slice %arg2[%dma_start3A_188, %dma_start3A_189] : memref<270000x128xf32, #tpu.memory_space<hbm>> -> memref<270000x128xf32, #tpu.memory_space<hbm>>
        tpu.enqueue_indirect_dma source(%dma_start3A_190 : memref<270000x128xf32, #tpu.memory_space<hbm>>) target(%arg9 : memref<80x128xf32, #tpu.memory_space<vmem>>) offsets(%dma_start3A_187 : memref<80xi32, #tpu.memory_space<vmem>>) semaphore(%arg16 : memref<!tpu.dma_semaphore, #tpu.memory_space<semaphore_mem>>)
      } else {
      }
      %add3A_138 = arith.constant 1 : i32
      %add3A_139 = arith.addi %mul3A_122, %add3A_138 : i32
      %mul3A_140 = arith.constant 80 : i32
      %mul3A_141 = arith.muli %add3A_139, %mul3A_140 : i32
      %add3A_142 = arith.constant 320000 : i32
      %add3A_143 = arith.addi %add3A_142, %mul3A_2 : i32
      %add3A_144 = arith.addi %add3A_143, %mul3A_141 : i32
      %dma_wait3A_145 = tpu.memref_slice %arg3[%add3A_144] : memref<640000xi32, #tpu.memory_space<hbm>> -> memref<80xi32, #tpu.memory_space<hbm>>
      %dma_wait3A_146 = tpu.memref_slice %arg3[%add3A_144] : memref<640000xi32, #tpu.memory_space<hbm>> -> memref<80xi32, #tpu.memory_space<hbm>>
      tpu.wait_dma2 semaphore(%arg17 : memref<!tpu.dma_semaphore, #tpu.memory_space<semaphore_mem>>) src(%dma_wait3A_146 : memref<80xi32, #tpu.memory_space<hbm>>) dst(%arg10 : memref<80xi32, #tpu.memory_space<vmem>>)
      %dma_wait3A_147 = tpu.memref_slice %arg6[%mul3A_141] : memref<10000xi32, #tpu.memory_space<vmem>> -> memref<80xi32, #tpu.memory_space<vmem>>
      %dma_wait3A_148 = arith.constant 0 : i32
      %dma_wait3A_149 = arith.constant 0 : i32
      %dma_wait3A_150 = tpu.memref_slice %arg2[%dma_wait3A_148, %dma_wait3A_149] : memref<270000x128xf32, #tpu.memory_space<hbm>> -> memref<270000x128xf32, #tpu.memory_space<hbm>>
      tpu.wait_indirect_dma semaphore(%arg17 : memref<!tpu.dma_semaphore, #tpu.memory_space<semaphore_mem>>) src(%dma_wait3A_150 : memref<270000x128xf32, #tpu.memory_space<hbm>>) dst(%arg11 : memref<80x128xf32, #tpu.memory_space<vmem>>)
      "tpu.region"() ({
        %run_scoped3A = tpu.sem_alloc : memref<!tpu.dma_semaphore, #tpu.memory_space<semaphore_mem>>
        %dma_start3A_178 = arith.constant 0 : i32
        %dma_start3A_179 = arith.constant 0 : i32
        %dma_start3A_180 = tpu.memref_slice %arg15[%dma_start3A_178, %dma_start3A_179] : memref<10240x128xf32, #tpu.memory_space<vmem_shared>> -> memref<10240x128xf32, #tpu.memory_space<vmem_shared>>
        tpu.enqueue_indirect_dma source(%arg11 : memref<80x128xf32, #tpu.memory_space<vmem>>) target(%dma_start3A_180 : memref<10240x128xf32, #tpu.memory_space<vmem_shared>>) offsets(%arg10 : memref<80xi32, #tpu.memory_space<vmem>>) semaphore(%run_scoped3A : memref<!tpu.dma_semaphore, #tpu.memory_space<semaphore_mem>>) {add = true}
        %dma_wait3A_181 = arith.constant 0 : i32
        %dma_wait3A_182 = arith.constant 0 : i32
        %dma_wait3A_183 = tpu.memref_slice %arg15[%dma_wait3A_181, %dma_wait3A_182] : memref<10240x128xf32, #tpu.memory_space<vmem_shared>> -> memref<10240x128xf32, #tpu.memory_space<vmem_shared>>
        tpu.wait_indirect_dma semaphore(%run_scoped3A : memref<!tpu.dma_semaphore, #tpu.memory_space<semaphore_mem>>) src(%arg11 : memref<80x128xf32, #tpu.memory_space<vmem>>) dst(%dma_wait3A_183 : memref<10240x128xf32, #tpu.memory_space<vmem_shared>>)
        tpu.yield
      }) : () -> ()
      %add3A_151 = arith.constant 3 : i32
      %add3A_152 = arith.addi %add3A_139, %add3A_151 : i32
      %lt3A_153 = arith.constant 125 : i32
      %lt3A_154 = arith.cmpi slt, %add3A_152, %lt3A_153 : i32
      %convert_element_type3A_155 = arith.extui %lt3A_154 : i1 to i32
      %cond3A_156 = arith.constant 0 : i32
      %cond3A_157 = arith.cmpi ne, %convert_element_type3A_155, %cond3A_156 : i32
      scf.if %cond3A_157 {
        %add3A_178 = arith.constant 3 : i32
        %add3A_179 = arith.addi %add3A_139, %add3A_178 : i32
        %mul3A_180 = arith.constant 80 : i32
        %mul3A_181 = arith.muli %add3A_179, %mul3A_180 : i32
        %add3A_182 = arith.constant 320000 : i32
        %add3A_183 = arith.addi %add3A_182, %mul3A_2 : i32
        %add3A_184 = arith.addi %add3A_183, %mul3A_181 : i32
        %dma_start3A_185 = tpu.memref_slice %arg3[%add3A_184] : memref<640000xi32, #tpu.memory_space<hbm>> -> memref<80xi32, #tpu.memory_space<hbm>>
        %dma_start3A_186 = tpu.memref_slice %arg3[%add3A_184] : memref<640000xi32, #tpu.memory_space<hbm>> -> memref<80xi32, #tpu.memory_space<hbm>>
        tpu.enqueue_dma source(%dma_start3A_186 : memref<80xi32, #tpu.memory_space<hbm>>) target(%arg10 : memref<80xi32, #tpu.memory_space<vmem>>) target_semaphore(%arg17 : memref<!tpu.dma_semaphore, #tpu.memory_space<semaphore_mem>>)
        %dma_start3A_187 = tpu.memref_slice %arg6[%mul3A_181] : memref<10000xi32, #tpu.memory_space<vmem>> -> memref<80xi32, #tpu.memory_space<vmem>>
        %dma_start3A_188 = arith.constant 0 : i32
        %dma_start3A_189 = arith.constant 0 : i32
        %dma_start3A_190 = tpu.memref_slice %arg2[%dma_start3A_188, %dma_start3A_189] : memref<270000x128xf32, #tpu.memory_space<hbm>> -> memref<270000x128xf32, #tpu.memory_space<hbm>>
        tpu.enqueue_indirect_dma source(%dma_start3A_190 : memref<270000x128xf32, #tpu.memory_space<hbm>>) target(%arg11 : memref<80x128xf32, #tpu.memory_space<vmem>>) offsets(%dma_start3A_187 : memref<80xi32, #tpu.memory_space<vmem>>) semaphore(%arg17 : memref<!tpu.dma_semaphore, #tpu.memory_space<semaphore_mem>>)
      } else {
      }
      %add3A_158 = arith.constant 2 : i32
      %add3A_159 = arith.addi %mul3A_122, %add3A_158 : i32
      %mul3A_160 = arith.constant 80 : i32
      %mul3A_161 = arith.muli %add3A_159, %mul3A_160 : i32
      %add3A_162 = arith.constant 320000 : i32
      %add3A_163 = arith.addi %add3A_162, %mul3A_2 : i32
      %add3A_164 = arith.addi %add3A_163, %mul3A_161 : i32
      %dma_wait3A_165 = tpu.memref_slice %arg3[%add3A_164] : memref<640000xi32, #tpu.memory_space<hbm>> -> memref<80xi32, #tpu.memory_space<hbm>>
      %dma_wait3A_166 = tpu.memref_slice %arg3[%add3A_164] : memref<640000xi32, #tpu.memory_space<hbm>> -> memref<80xi32, #tpu.memory_space<hbm>>
      tpu.wait_dma2 semaphore(%arg18 : memref<!tpu.dma_semaphore, #tpu.memory_space<semaphore_mem>>) src(%dma_wait3A_166 : memref<80xi32, #tpu.memory_space<hbm>>) dst(%arg12 : memref<80xi32, #tpu.memory_space<vmem>>)
      %dma_wait3A_167 = tpu.memref_slice %arg6[%mul3A_161] : memref<10000xi32, #tpu.memory_space<vmem>> -> memref<80xi32, #tpu.memory_space<vmem>>
      %dma_wait3A_168 = arith.constant 0 : i32
      %dma_wait3A_169 = arith.constant 0 : i32
      %dma_wait3A_170 = tpu.memref_slice %arg2[%dma_wait3A_168, %dma_wait3A_169] : memref<270000x128xf32, #tpu.memory_space<hbm>> -> memref<270000x128xf32, #tpu.memory_space<hbm>>
      tpu.wait_indirect_dma semaphore(%arg18 : memref<!tpu.dma_semaphore, #tpu.memory_space<semaphore_mem>>) src(%dma_wait3A_170 : memref<270000x128xf32, #tpu.memory_space<hbm>>) dst(%arg13 : memref<80x128xf32, #tpu.memory_space<vmem>>)
      "tpu.region"() ({
        %run_scoped3A = tpu.sem_alloc : memref<!tpu.dma_semaphore, #tpu.memory_space<semaphore_mem>>
        %dma_start3A_178 = arith.constant 0 : i32
        %dma_start3A_179 = arith.constant 0 : i32
        %dma_start3A_180 = tpu.memref_slice %arg15[%dma_start3A_178, %dma_start3A_179] : memref<10240x128xf32, #tpu.memory_space<vmem_shared>> -> memref<10240x128xf32, #tpu.memory_space<vmem_shared>>
        tpu.enqueue_indirect_dma source(%arg13 : memref<80x128xf32, #tpu.memory_space<vmem>>) target(%dma_start3A_180 : memref<10240x128xf32, #tpu.memory_space<vmem_shared>>) offsets(%arg12 : memref<80xi32, #tpu.memory_space<vmem>>) semaphore(%run_scoped3A : memref<!tpu.dma_semaphore, #tpu.memory_space<semaphore_mem>>) {add = true}
        %dma_wait3A_181 = arith.constant 0 : i32
        %dma_wait3A_182 = arith.constant 0 : i32
        %dma_wait3A_183 = tpu.memref_slice %arg15[%dma_wait3A_181, %dma_wait3A_182] : memref<10240x128xf32, #tpu.memory_space<vmem_shared>> -> memref<10240x128xf32, #tpu.memory_space<vmem_shared>>
        tpu.wait_indirect_dma semaphore(%run_scoped3A : memref<!tpu.dma_semaphore, #tpu.memory_space<semaphore_mem>>) src(%arg13 : memref<80x128xf32, #tpu.memory_space<vmem>>) dst(%dma_wait3A_183 : memref<10240x128xf32, #tpu.memory_space<vmem_shared>>)
        tpu.yield
      }) : () -> ()
      %add3A_171 = arith.constant 3 : i32
      %add3A_172 = arith.addi %add3A_159, %add3A_171 : i32
      %lt3A_173 = arith.constant 125 : i32
      %lt3A_174 = arith.cmpi slt, %add3A_172, %lt3A_173 : i32
      %convert_element_type3A_175 = arith.extui %lt3A_174 : i1 to i32
      %cond3A_176 = arith.constant 0 : i32
      %cond3A_177 = arith.cmpi ne, %convert_element_type3A_175, %cond3A_176 : i32
      scf.if %cond3A_177 {
        %add3A_178 = arith.constant 3 : i32
        %add3A_179 = arith.addi %add3A_159, %add3A_178 : i32
        %mul3A_180 = arith.constant 80 : i32
        %mul3A_181 = arith.muli %add3A_179, %mul3A_180 : i32
        %add3A_182 = arith.constant 320000 : i32
        %add3A_183 = arith.addi %add3A_182, %mul3A_2 : i32
        %add3A_184 = arith.addi %add3A_183, %mul3A_181 : i32
        %dma_start3A_185 = tpu.memref_slice %arg3[%add3A_184] : memref<640000xi32, #tpu.memory_space<hbm>> -> memref<80xi32, #tpu.memory_space<hbm>>
        %dma_start3A_186 = tpu.memref_slice %arg3[%add3A_184] : memref<640000xi32, #tpu.memory_space<hbm>> -> memref<80xi32, #tpu.memory_space<hbm>>
        tpu.enqueue_dma source(%dma_start3A_186 : memref<80xi32, #tpu.memory_space<hbm>>) target(%arg12 : memref<80xi32, #tpu.memory_space<vmem>>) target_semaphore(%arg18 : memref<!tpu.dma_semaphore, #tpu.memory_space<semaphore_mem>>)
        %dma_start3A_187 = tpu.memref_slice %arg6[%mul3A_181] : memref<10000xi32, #tpu.memory_space<vmem>> -> memref<80xi32, #tpu.memory_space<vmem>>
        %dma_start3A_188 = arith.constant 0 : i32
        %dma_start3A_189 = arith.constant 0 : i32
        %dma_start3A_190 = tpu.memref_slice %arg2[%dma_start3A_188, %dma_start3A_189] : memref<270000x128xf32, #tpu.memory_space<hbm>> -> memref<270000x128xf32, #tpu.memory_space<hbm>>
        tpu.enqueue_indirect_dma source(%dma_start3A_190 : memref<270000x128xf32, #tpu.memory_space<hbm>>) target(%arg13 : memref<80x128xf32, #tpu.memory_space<vmem>>) offsets(%dma_start3A_187 : memref<80xi32, #tpu.memory_space<vmem>>) semaphore(%arg18 : memref<!tpu.dma_semaphore, #tpu.memory_space<semaphore_mem>>)
      } else {
      }
    }
    %scan3A_94 = arith.constant 41 : i32
    %add3A_95 = arith.constant 320000 : i32
    %add3A_96 = arith.addi %add3A_95, %mul3A_2 : i32
    %add3A_97 = arith.constant 9840 : i32
    %add3A_98 = arith.addi %add3A_96, %add3A_97 : i32
    %dma_wait3A = tpu.memref_slice %arg3[%add3A_98] : memref<640000xi32, #tpu.memory_space<hbm>> -> memref<80xi32, #tpu.memory_space<hbm>>
    %dma_wait3A_99 = tpu.memref_slice %arg3[%add3A_98] : memref<640000xi32, #tpu.memory_space<hbm>> -> memref<80xi32, #tpu.memory_space<hbm>>
    tpu.wait_dma2 semaphore(%arg16 : memref<!tpu.dma_semaphore, #tpu.memory_space<semaphore_mem>>) src(%dma_wait3A_99 : memref<80xi32, #tpu.memory_space<hbm>>) dst(%arg8 : memref<80xi32, #tpu.memory_space<vmem>>)
    %dma_wait3A_100 = arith.constant 9840 : i32
    %dma_wait3A_101 = tpu.memref_slice %arg6[%dma_wait3A_100] : memref<10000xi32, #tpu.memory_space<vmem>> -> memref<80xi32, #tpu.memory_space<vmem>>
    %dma_wait3A_102 = arith.constant 0 : i32
    %dma_wait3A_103 = arith.constant 0 : i32
    %dma_wait3A_104 = tpu.memref_slice %arg2[%dma_wait3A_102, %dma_wait3A_103] : memref<270000x128xf32, #tpu.memory_space<hbm>> -> memref<270000x128xf32, #tpu.memory_space<hbm>>
    tpu.wait_indirect_dma semaphore(%arg16 : memref<!tpu.dma_semaphore, #tpu.memory_space<semaphore_mem>>) src(%dma_wait3A_104 : memref<270000x128xf32, #tpu.memory_space<hbm>>) dst(%arg9 : memref<80x128xf32, #tpu.memory_space<vmem>>)
    "tpu.region"() ({
      %run_scoped3A = tpu.sem_alloc : memref<!tpu.dma_semaphore, #tpu.memory_space<semaphore_mem>>
      %dma_start3A_120 = arith.constant 0 : i32
      %dma_start3A_121 = arith.constant 0 : i32
      %dma_start3A_122 = tpu.memref_slice %arg15[%dma_start3A_120, %dma_start3A_121] : memref<10240x128xf32, #tpu.memory_space<vmem_shared>> -> memref<10240x128xf32, #tpu.memory_space<vmem_shared>>
      tpu.enqueue_indirect_dma source(%arg9 : memref<80x128xf32, #tpu.memory_space<vmem>>) target(%dma_start3A_122 : memref<10240x128xf32, #tpu.memory_space<vmem_shared>>) offsets(%arg8 : memref<80xi32, #tpu.memory_space<vmem>>) semaphore(%run_scoped3A : memref<!tpu.dma_semaphore, #tpu.memory_space<semaphore_mem>>) {add = true}
      %dma_wait3A_123 = arith.constant 0 : i32
      %dma_wait3A_124 = arith.constant 0 : i32
      %dma_wait3A_125 = tpu.memref_slice %arg15[%dma_wait3A_123, %dma_wait3A_124] : memref<10240x128xf32, #tpu.memory_space<vmem_shared>> -> memref<10240x128xf32, #tpu.memory_space<vmem_shared>>
      tpu.wait_indirect_dma semaphore(%run_scoped3A : memref<!tpu.dma_semaphore, #tpu.memory_space<semaphore_mem>>) src(%arg9 : memref<80x128xf32, #tpu.memory_space<vmem>>) dst(%dma_wait3A_125 : memref<10240x128xf32, #tpu.memory_space<vmem_shared>>)
      tpu.yield
    }) : () -> ()
    %add3A_105 = arith.constant 320000 : i32
    %add3A_106 = arith.addi %add3A_105, %mul3A_2 : i32
    %add3A_107 = arith.constant 9920 : i32
    %add3A_108 = arith.addi %add3A_106, %add3A_107 : i32
    %dma_wait3A_109 = tpu.memref_slice %arg3[%add3A_108] : memref<640000xi32, #tpu.memory_space<hbm>> -> memref<80xi32, #tpu.memory_space<hbm>>
    %dma_wait3A_110 = tpu.memref_slice %arg3[%add3A_108] : memref<640000xi32, #tpu.memory_space<hbm>> -> memref<80xi32, #tpu.memory_space<hbm>>
    tpu.wait_dma2 semaphore(%arg17 : memref<!tpu.dma_semaphore, #tpu.memory_space<semaphore_mem>>) src(%dma_wait3A_110 : memref<80xi32, #tpu.memory_space<hbm>>) dst(%arg10 : memref<80xi32, #tpu.memory_space<vmem>>)
    %dma_wait3A_111 = arith.constant 9920 : i32
    %dma_wait3A_112 = tpu.memref_slice %arg6[%dma_wait3A_111] : memref<10000xi32, #tpu.memory_space<vmem>> -> memref<80xi32, #tpu.memory_space<vmem>>
    %dma_wait3A_113 = arith.constant 0 : i32
    %dma_wait3A_114 = arith.constant 0 : i32
    %dma_wait3A_115 = tpu.memref_slice %arg2[%dma_wait3A_113, %dma_wait3A_114] : memref<270000x128xf32, #tpu.memory_space<hbm>> -> memref<270000x128xf32, #tpu.memory_space<hbm>>
    tpu.wait_indirect_dma semaphore(%arg17 : memref<!tpu.dma_semaphore, #tpu.memory_space<semaphore_mem>>) src(%dma_wait3A_115 : memref<270000x128xf32, #tpu.memory_space<hbm>>) dst(%arg11 : memref<80x128xf32, #tpu.memory_space<vmem>>)
    "tpu.region"() ({
      %run_scoped3A = tpu.sem_alloc : memref<!tpu.dma_semaphore, #tpu.memory_space<semaphore_mem>>
      %dma_start3A_120 = arith.constant 0 : i32
      %dma_start3A_121 = arith.constant 0 : i32
      %dma_start3A_122 = tpu.memref_slice %arg15[%dma_start3A_120, %dma_start3A_121] : memref<10240x128xf32, #tpu.memory_space<vmem_shared>> -> memref<10240x128xf32, #tpu.memory_space<vmem_shared>>
      tpu.enqueue_indirect_dma source(%arg11 : memref<80x128xf32, #tpu.memory_space<vmem>>) target(%dma_start3A_122 : memref<10240x128xf32, #tpu.memory_space<vmem_shared>>) offsets(%arg10 : memref<80xi32, #tpu.memory_space<vmem>>) semaphore(%run_scoped3A : memref<!tpu.dma_semaphore, #tpu.memory_space<semaphore_mem>>) {add = true}
      %dma_wait3A_123 = arith.constant 0 : i32
      %dma_wait3A_124 = arith.constant 0 : i32
      %dma_wait3A_125 = tpu.memref_slice %arg15[%dma_wait3A_123, %dma_wait3A_124] : memref<10240x128xf32, #tpu.memory_space<vmem_shared>> -> memref<10240x128xf32, #tpu.memory_space<vmem_shared>>
      tpu.wait_indirect_dma semaphore(%run_scoped3A : memref<!tpu.dma_semaphore, #tpu.memory_space<semaphore_mem>>) src(%arg11 : memref<80x128xf32, #tpu.memory_space<vmem>>) dst(%dma_wait3A_125 : memref<10240x128xf32, #tpu.memory_space<vmem_shared>>)
      tpu.yield
    }) : () -> ()
    %barrier3A_116 = arith.constant 0 : index
    tpu.barrier barrier_id(%barrier3A_116)
    %mul3A_117 = arith.constant 10240 : i32
    %mul3A_118 = arith.muli %arg0, %mul3A_117 : i32
    %add3A_119 = arith.addi %mul3A_118, %mul3A_82 : i32
    "tpu.region"() ({
      %run_scoped3A = tpu.sem_alloc : memref<!tpu.dma_semaphore, #tpu.memory_space<semaphore_mem>>
      %dma_start3A_120 = arith.constant 0 : i32
      %dma_start3A_121 = tpu.memref_slice %arg5[%add3A_119, %dma_start3A_120] : memref<20480x128xf32, #tpu.memory_space<hbm>> -> memref<640x128xf32, #tpu.memory_space<hbm>>
      %dma_start3A_122 = arith.constant 0 : i32
      %dma_start3A_123 = tpu.memref_slice %arg15[%mul3A_82, %dma_start3A_122] : memref<10240x128xf32, #tpu.memory_space<vmem_shared>> -> memref<640x128xf32, #tpu.memory_space<vmem_shared>>
      tpu.enqueue_dma source(%dma_start3A_123 : memref<640x128xf32, #tpu.memory_space<vmem_shared>>) target(%dma_start3A_121 : memref<640x128xf32, #tpu.memory_space<hbm>>) target_semaphore(%run_scoped3A : memref<!tpu.dma_semaphore, #tpu.memory_space<semaphore_mem>>)
      %dma_wait3A_124 = arith.constant 0 : i32
      %dma_wait3A_125 = tpu.memref_slice %arg5[%add3A_119, %dma_wait3A_124] : memref<20480x128xf32, #tpu.memory_space<hbm>> -> memref<640x128xf32, #tpu.memory_space<hbm>>
      %dma_wait3A_126 = arith.constant 0 : i32
      %dma_wait3A_127 = tpu.memref_slice %arg15[%mul3A_82, %dma_wait3A_126] : memref<10240x128xf32, #tpu.memory_space<vmem_shared>> -> memref<640x128xf32, #tpu.memory_space<vmem_shared>>
      tpu.wait_dma2 semaphore(%run_scoped3A : memref<!tpu.dma_semaphore, #tpu.memory_space<semaphore_mem>>) src(%dma_wait3A_127 : memref<640x128xf32, #tpu.memory_space<vmem_shared>>) dst(%dma_wait3A_125 : memref<640x128xf32, #tpu.memory_space<hbm>>)
      tpu.yield
    }) : () -> ()
    return
  }
}

module attributes {stable_mosaic.version = 14 : i64} {
  func.func @_bn_body(%arg0: memref<20480x128xf32, #tpu.memory_space<vmem>>, %arg1: memref<1x128xf32, #tpu.memory_space<vmem>>, %arg2: memref<1x128xf32, #tpu.memory_space<vmem>>, %arg3: memref<10000x128xf32, #tpu.memory_space<vmem>>) attributes {dimension_semantics = [], scalar_prefetch = 0 : i64, scratch_operands = 0 : i64, tpu.core_type = #tpu.core_type<tc>} {
    %get3A = arith.constant 0 : index
    %get3A_0 = arith.constant 0 : index
    %get3A_1 = vector.load %arg0[%get3A, %get3A_0] : memref<20480x128xf32, #tpu.memory_space<vmem>>, vector<10000x128xf32>
    %get3A_2 = arith.constant 10240 : index
    %get3A_3 = arith.constant 0 : index
    %get3A_4 = vector.load %arg0[%get3A_2, %get3A_3] : memref<20480x128xf32, #tpu.memory_space<vmem>>, vector<10000x128xf32>
    %add3A = arith.addf %get3A_1, %get3A_4 : vector<10000x128xf32>
    %reduce_sum3A = arith.constant dense<0.000000e+00> : vector<128xf32>
    %reduce_sum3A_5 = vector.multi_reduction <add>, %add3A, %reduce_sum3A [0] : vector<10000x128xf32> to vector<128xf32>
    %broadcast_in_dim3A = vector.shape_cast %reduce_sum3A_5 : vector<128xf32> to vector<1x128xf32>
    %div3A = arith.constant 1.000000e+04 : f32
    %div3A_6 = vector.broadcast %div3A : f32 to vector<1x128xf32>
    %div3A_7 = arith.divf %broadcast_in_dim3A, %div3A_6 : vector<1x128xf32>
    %sub3A = vector.broadcast %div3A_7 : vector<1x128xf32> to vector<10000x128xf32>
    %sub3A_8 = arith.subf %add3A, %sub3A : vector<10000x128xf32>
    %mul3A = arith.mulf %sub3A_8, %sub3A_8 : vector<10000x128xf32>
    %reduce_sum3A_9 = arith.constant dense<0.000000e+00> : vector<128xf32>
    %reduce_sum3A_10 = vector.multi_reduction <add>, %mul3A, %reduce_sum3A_9 [0] : vector<10000x128xf32> to vector<128xf32>
    %broadcast_in_dim3A_11 = vector.shape_cast %reduce_sum3A_10 : vector<128xf32> to vector<1x128xf32>
    %div3A_12 = arith.constant 1.000000e+04 : f32
    %div3A_13 = vector.broadcast %div3A_12 : f32 to vector<1x128xf32>
    %div3A_14 = arith.divf %broadcast_in_dim3A_11, %div3A_13 : vector<1x128xf32>
    %get3A_15 = arith.constant 0 : index
    %get3A_16 = arith.constant 0 : index
    %get3A_17 = vector.load %arg1[%get3A_15, %get3A_16] : memref<1x128xf32, #tpu.memory_space<vmem>>, vector<1x128xf32>
    %add3A_18 = arith.constant 9.99999974E-6 : f32
    %add3A_19 = vector.broadcast %add3A_18 : f32 to vector<1x128xf32>
    %add3A_20 = arith.addf %div3A_14, %add3A_19 : vector<1x128xf32>
    %rsqrt3A = math.rsqrt %add3A_20 : vector<1x128xf32>
    %mul3A_21 = vector.broadcast %rsqrt3A : vector<1x128xf32> to vector<10000x128xf32>
    %mul3A_22 = arith.mulf %sub3A_8, %mul3A_21 : vector<10000x128xf32>
    %mul3A_23 = vector.broadcast %get3A_17 : vector<1x128xf32> to vector<10000x128xf32>
    %mul3A_24 = arith.mulf %mul3A_23, %mul3A_22 : vector<10000x128xf32>
    %get3A_25 = arith.constant 0 : index
    %get3A_26 = arith.constant 0 : index
    %get3A_27 = vector.load %arg2[%get3A_25, %get3A_26] : memref<1x128xf32, #tpu.memory_space<vmem>>, vector<1x128xf32>
    %add3A_28 = vector.broadcast %get3A_27 : vector<1x128xf32> to vector<10000x128xf32>
    %add3A_29 = arith.addf %mul3A_24, %add3A_28 : vector<10000x128xf32>
    %max3A = arith.constant 0.000000e+00 : f32
    %max3A_30 = vector.broadcast %max3A : f32 to vector<10000x128xf32>
    %max3A_31 = arith.maximumf %add3A_29, %max3A_30 : vector<10000x128xf32>
    %swap3A = arith.constant 0 : index
    %swap3A_32 = arith.constant 0 : index
    %swap3A_33 = vector.load %arg3[%swap3A, %swap3A_32] : memref<10000x128xf32, #tpu.memory_space<vmem>>, vector<10000x128xf32>
    tpu.vector_store %arg3[%swap3A, %swap3A_32], %max3A_31 {strides = array<i32>} : memref<10000x128xf32, #tpu.memory_space<vmem>>, vector<10000x128xf32>,
    return
  }
}

module attributes {stable_mosaic.version = 14 : i64} {
  func.func @_z_body(%arg0: i32, %arg1: memref<1000x128xf32, #tpu.memory_space<vmem>>, %arg2: memref<27x128x128xf32, #tpu.memory_space<vmem>>, %arg3: memref<27x1000x128xf32, #tpu.memory_space<vmem>>) attributes {dimension_semantics = [#tpu.dimension_semantics<arbitrary>], iteration_bounds = array<i64: 10>, scalar_prefetch = 0 : i64, scratch_operands = 0 : i64, tpu.core_type = #tpu.core_type<tc>, window_params = [{transform_indices = @transform_0, window_bounds = array<i64: 1000, 128>}, {pipeline_mode = #tpu.pipeline_mode<synchronous>, transform_indices = @transform_1, window_bounds = array<i64: 27, 128, 128>}, {transform_indices = @transform_2, window_bounds = array<i64: 27, 1000, 128>}]} {
    %get3A = arith.constant 0 : index
    %get3A_0 = arith.constant 0 : index
    %get3A_1 = vector.load %arg1[%get3A, %get3A_0] : memref<1000x128xf32, #tpu.memory_space<vmem>>, vector<1000x128xf32>
    %get3A_2 = arith.constant 0 : index
    %get3A_3 = arith.constant 0 : index
    %get3A_4 = arith.constant 0 : index
    %get3A_5 = vector.load %arg2[%get3A_2, %get3A_3, %get3A_4] : memref<27x128x128xf32, #tpu.memory_space<vmem>>, vector<1x128x128xf32>
    %get3A_6 = vector.shape_cast %get3A_5 : vector<1x128x128xf32> to vector<128x128xf32>
    %dot_general3A = arith.constant dense<0.000000e+00> : vector<1000x128xf32>
    %dot_general3A_7 = tpu.matmul %get3A_1, %get3A_6, %dot_general3A {dimension_numbers = #tpu.dot_dimension_numbers<[1], [0], [0], [1], [0, 0, 1, 1], [], []>, transpose_lhs_hint = false} : vector<1000x128xf32>, vector<128x128xf32>, vector<1000x128xf32> -> vector<1000x128xf32>
    %swap3A = arith.constant 0 : index
    %swap3A_8 = arith.constant 0 : index
    %swap3A_9 = arith.constant 0 : index
    %swap3A_10 = vector.load %arg3[%swap3A, %swap3A_8, %swap3A_9] : memref<27x1000x128xf32, #tpu.memory_space<vmem>>, vector<1x1000x128xf32>
    %swap3A_11 = vector.shape_cast %swap3A_10 : vector<1x1000x128xf32> to vector<1000x128xf32>
    %swap3A_12 = vector.shape_cast %dot_general3A_7 : vector<1000x128xf32> to vector<1x1000x128xf32>
    tpu.vector_store %arg3[%swap3A, %swap3A_8, %swap3A_9], %swap3A_12 {strides = array<i32>} : memref<27x1000x128xf32, #tpu.memory_space<vmem>>, vector<1x1000x128xf32>,
    %get3A_13 = arith.constant 0 : index
    %get3A_14 = arith.constant 0 : index
    %get3A_15 = vector.load %arg1[%get3A_13, %get3A_14] : memref<1000x128xf32, #tpu.memory_space<vmem>>, vector<1000x128xf32>
    %get3A_16 = arith.constant 1 : index
    %get3A_17 = arith.constant 0 : index
    %get3A_18 = arith.constant 0 : index
    %get3A_19 = vector.load %arg2[%get3A_16, %get3A_17, %get3A_18] : memref<27x128x128xf32, #tpu.memory_space<vmem>>, vector<1x128x128xf32>
    %get3A_20 = vector.shape_cast %get3A_19 : vector<1x128x128xf32> to vector<128x128xf32>
    %dot_general3A_21 = arith.constant dense<0.000000e+00> : vector<1000x128xf32>
    %dot_general3A_22 = tpu.matmul %get3A_15, %get3A_20, %dot_general3A_21 {dimension_numbers = #tpu.dot_dimension_numbers<[1], [0], [0], [1], [0, 0, 1, 1], [], []>, transpose_lhs_hint = false} : vector<1000x128xf32>, vector<128x128xf32>, vector<1000x128xf32> -> vector<1000x128xf32>
    %swap3A_23 = arith.constant 1 : index
    %swap3A_24 = arith.constant 0 : index
    %swap3A_25 = arith.constant 0 : index
    %swap3A_26 = vector.load %arg3[%swap3A_23, %swap3A_24, %swap3A_25] : memref<27x1000x128xf32, #tpu.memory_space<vmem>>, vector<1x1000x128xf32>
    %swap3A_27 = vector.shape_cast %swap3A_26 : vector<1x1000x128xf32> to vector<1000x128xf32>
    %swap3A_28 = vector.shape_cast %dot_general3A_22 : vector<1000x128xf32> to vector<1x1000x128xf32>
    tpu.vector_store %arg3[%swap3A_23, %swap3A_24, %swap3A_25], %swap3A_28 {strides = array<i32>} : memref<27x1000x128xf32, #tpu.memory_space<vmem>>, vector<1x1000x128xf32>,
    %get3A_29 = arith.constant 0 : index
    %get3A_30 = arith.constant 0 : index
    %get3A_31 = vector.load %arg1[%get3A_29, %get3A_30] : memref<1000x128xf32, #tpu.memory_space<vmem>>, vector<1000x128xf32>
    %get3A_32 = arith.constant 2 : index
    %get3A_33 = arith.constant 0 : index
    %get3A_34 = arith.constant 0 : index
    %get3A_35 = vector.load %arg2[%get3A_32, %get3A_33, %get3A_34] : memref<27x128x128xf32, #tpu.memory_space<vmem>>, vector<1x128x128xf32>
    %get3A_36 = vector.shape_cast %get3A_35 : vector<1x128x128xf32> to vector<128x128xf32>
    %dot_general3A_37 = arith.constant dense<0.000000e+00> : vector<1000x128xf32>
    %dot_general3A_38 = tpu.matmul %get3A_31, %get3A_36, %dot_general3A_37 {dimension_numbers = #tpu.dot_dimension_numbers<[1], [0], [0], [1], [0, 0, 1, 1], [], []>, transpose_lhs_hint = false} : vector<1000x128xf32>, vector<128x128xf32>, vector<1000x128xf32> -> vector<1000x128xf32>
    %swap3A_39 = arith.constant 2 : index
    %swap3A_40 = arith.constant 0 : index
    %swap3A_41 = arith.constant 0 : index
    %swap3A_42 = vector.load %arg3[%swap3A_39, %swap3A_40, %swap3A_41] : memref<27x1000x128xf32, #tpu.memory_space<vmem>>, vector<1x1000x128xf32>
    %swap3A_43 = vector.shape_cast %swap3A_42 : vector<1x1000x128xf32> to vector<1000x128xf32>
    %swap3A_44 = vector.shape_cast %dot_general3A_38 : vector<1000x128xf32> to vector<1x1000x128xf32>
    tpu.vector_store %arg3[%swap3A_39, %swap3A_40, %swap3A_41], %swap3A_44 {strides = array<i32>} : memref<27x1000x128xf32, #tpu.memory_space<vmem>>, vector<1x1000x128xf32>,
    %get3A_45 = arith.constant 0 : index
    %get3A_46 = arith.constant 0 : index
    %get3A_47 = vector.load %arg1[%get3A_45, %get3A_46] : memref<1000x128xf32, #tpu.memory_space<vmem>>, vector<1000x128xf32>
    %get3A_48 = arith.constant 3 : index
    %get3A_49 = arith.constant 0 : index
    %get3A_50 = arith.constant 0 : index
    %get3A_51 = vector.load %arg2[%get3A_48, %get3A_49, %get3A_50] : memref<27x128x128xf32, #tpu.memory_space<vmem>>, vector<1x128x128xf32>
    %get3A_52 = vector.shape_cast %get3A_51 : vector<1x128x128xf32> to vector<128x128xf32>
    %dot_general3A_53 = arith.constant dense<0.000000e+00> : vector<1000x128xf32>
    %dot_general3A_54 = tpu.matmul %get3A_47, %get3A_52, %dot_general3A_53 {dimension_numbers = #tpu.dot_dimension_numbers<[1], [0], [0], [1], [0, 0, 1, 1], [], []>, transpose_lhs_hint = false} : vector<1000x128xf32>, vector<128x128xf32>, vector<1000x128xf32> -> vector<1000x128xf32>
    %swap3A_55 = arith.constant 3 : index
    %swap3A_56 = arith.constant 0 : index
    %swap3A_57 = arith.constant 0 : index
    %swap3A_58 = vector.load %arg3[%swap3A_55, %swap3A_56, %swap3A_57] : memref<27x1000x128xf32, #tpu.memory_space<vmem>>, vector<1x1000x128xf32>
    %swap3A_59 = vector.shape_cast %swap3A_58 : vector<1x1000x128xf32> to vector<1000x128xf32>
    %swap3A_60 = vector.shape_cast %dot_general3A_54 : vector<1000x128xf32> to vector<1x1000x128xf32>
    tpu.vector_store %arg3[%swap3A_55, %swap3A_56, %swap3A_57], %swap3A_60 {strides = array<i32>} : memref<27x1000x128xf32, #tpu.memory_space<vmem>>, vector<1x1000x128xf32>,
    %get3A_61 = arith.constant 0 : index
    %get3A_62 = arith.constant 0 : index
    %get3A_63 = vector.load %arg1[%get3A_61, %get3A_62] : memref<1000x128xf32, #tpu.memory_space<vmem>>, vector<1000x128xf32>
    %get3A_64 = arith.constant 4 : index
    %get3A_65 = arith.constant 0 : index
    %get3A_66 = arith.constant 0 : index
    %get3A_67 = vector.load %arg2[%get3A_64, %get3A_65, %get3A_66] : memref<27x128x128xf32, #tpu.memory_space<vmem>>, vector<1x128x128xf32>
    %get3A_68 = vector.shape_cast %get3A_67 : vector<1x128x128xf32> to vector<128x128xf32>
    %dot_general3A_69 = arith.constant dense<0.000000e+00> : vector<1000x128xf32>
    %dot_general3A_70 = tpu.matmul %get3A_63, %get3A_68, %dot_general3A_69 {dimension_numbers = #tpu.dot_dimension_numbers<[1], [0], [0], [1], [0, 0, 1, 1], [], []>, transpose_lhs_hint = false} : vector<1000x128xf32>, vector<128x128xf32>, vector<1000x128xf32> -> vector<1000x128xf32>
    %swap3A_71 = arith.constant 4 : index
    %swap3A_72 = arith.constant 0 : index
    %swap3A_73 = arith.constant 0 : index
    %swap3A_74 = vector.load %arg3[%swap3A_71, %swap3A_72, %swap3A_73] : memref<27x1000x128xf32, #tpu.memory_space<vmem>>, vector<1x1000x128xf32>
    %swap3A_75 = vector.shape_cast %swap3A_74 : vector<1x1000x128xf32> to vector<1000x128xf32>
    %swap3A_76 = vector.shape_cast %dot_general3A_70 : vector<1000x128xf32> to vector<1x1000x128xf32>
    tpu.vector_store %arg3[%swap3A_71, %swap3A_72, %swap3A_73], %swap3A_76 {strides = array<i32>} : memref<27x1000x128xf32, #tpu.memory_space<vmem>>, vector<1x1000x128xf32>,
    %get3A_77 = arith.constant 0 : index
    %get3A_78 = arith.constant 0 : index
    %get3A_79 = vector.load %arg1[%get3A_77, %get3A_78] : memref<1000x128xf32, #tpu.memory_space<vmem>>, vector<1000x128xf32>
    %get3A_80 = arith.constant 5 : index
    %get3A_81 = arith.constant 0 : index
    %get3A_82 = arith.constant 0 : index
    %get3A_83 = vector.load %arg2[%get3A_80, %get3A_81, %get3A_82] : memref<27x128x128xf32, #tpu.memory_space<vmem>>, vector<1x128x128xf32>
    %get3A_84 = vector.shape_cast %get3A_83 : vector<1x128x128xf32> to vector<128x128xf32>
    %dot_general3A_85 = arith.constant dense<0.000000e+00> : vector<1000x128xf32>
    %dot_general3A_86 = tpu.matmul %get3A_79, %get3A_84, %dot_general3A_85 {dimension_numbers = #tpu.dot_dimension_numbers<[1], [0], [0], [1], [0, 0, 1, 1], [], []>, transpose_lhs_hint = false} : vector<1000x128xf32>, vector<128x128xf32>, vector<1000x128xf32> -> vector<1000x128xf32>
    %swap3A_87 = arith.constant 5 : index
    %swap3A_88 = arith.constant 0 : index
    %swap3A_89 = arith.constant 0 : index
    %swap3A_90 = vector.load %arg3[%swap3A_87, %swap3A_88, %swap3A_89] : memref<27x1000x128xf32, #tpu.memory_space<vmem>>, vector<1x1000x128xf32>
    %swap3A_91 = vector.shape_cast %swap3A_90 : vector<1x1000x128xf32> to vector<1000x128xf32>
    %swap3A_92 = vector.shape_cast %dot_general3A_86 : vector<1000x128xf32> to vector<1x1000x128xf32>
    tpu.vector_store %arg3[%swap3A_87, %swap3A_88, %swap3A_89], %swap3A_92 {strides = array<i32>} : memref<27x1000x128xf32, #tpu.memory_space<vmem>>, vector<1x1000x128xf32>,
    %get3A_93 = arith.constant 0 : index
    %get3A_94 = arith.constant 0 : index
    %get3A_95 = vector.load %arg1[%get3A_93, %get3A_94] : memref<1000x128xf32, #tpu.memory_space<vmem>>, vector<1000x128xf32>
    %get3A_96 = arith.constant 6 : index
    %get3A_97 = arith.constant 0 : index
    %get3A_98 = arith.constant 0 : index
    %get3A_99 = vector.load %arg2[%get3A_96, %get3A_97, %get3A_98] : memref<27x128x128xf32, #tpu.memory_space<vmem>>, vector<1x128x128xf32>
    %get3A_100 = vector.shape_cast %get3A_99 : vector<1x128x128xf32> to vector<128x128xf32>
    %dot_general3A_101 = arith.constant dense<0.000000e+00> : vector<1000x128xf32>
    %dot_general3A_102 = tpu.matmul %get3A_95, %get3A_100, %dot_general3A_101 {dimension_numbers = #tpu.dot_dimension_numbers<[1], [0], [0], [1], [0, 0, 1, 1], [], []>, transpose_lhs_hint = false} : vector<1000x128xf32>, vector<128x128xf32>, vector<1000x128xf32> -> vector<1000x128xf32>
    %swap3A_103 = arith.constant 6 : index
    %swap3A_104 = arith.constant 0 : index
    %swap3A_105 = arith.constant 0 : index
    %swap3A_106 = vector.load %arg3[%swap3A_103, %swap3A_104, %swap3A_105] : memref<27x1000x128xf32, #tpu.memory_space<vmem>>, vector<1x1000x128xf32>
    %swap3A_107 = vector.shape_cast %swap3A_106 : vector<1x1000x128xf32> to vector<1000x128xf32>
    %swap3A_108 = vector.shape_cast %dot_general3A_102 : vector<1000x128xf32> to vector<1x1000x128xf32>
    tpu.vector_store %arg3[%swap3A_103, %swap3A_104, %swap3A_105], %swap3A_108 {strides = array<i32>} : memref<27x1000x128xf32, #tpu.memory_space<vmem>>, vector<1x1000x128xf32>,
    %get3A_109 = arith.constant 0 : index
    %get3A_110 = arith.constant 0 : index
    %get3A_111 = vector.load %arg1[%get3A_109, %get3A_110] : memref<1000x128xf32, #tpu.memory_space<vmem>>, vector<1000x128xf32>
    %get3A_112 = arith.constant 7 : index
    %get3A_113 = arith.constant 0 : index
    %get3A_114 = arith.constant 0 : index
    %get3A_115 = vector.load %arg2[%get3A_112, %get3A_113, %get3A_114] : memref<27x128x128xf32, #tpu.memory_space<vmem>>, vector<1x128x128xf32>
    %get3A_116 = vector.shape_cast %get3A_115 : vector<1x128x128xf32> to vector<128x128xf32>
    %dot_general3A_117 = arith.constant dense<0.000000e+00> : vector<1000x128xf32>
    %dot_general3A_118 = tpu.matmul %get3A_111, %get3A_116, %dot_general3A_117 {dimension_numbers = #tpu.dot_dimension_numbers<[1], [0], [0], [1], [0, 0, 1, 1], [], []>, transpose_lhs_hint = false} : vector<1000x128xf32>, vector<128x128xf32>, vector<1000x128xf32> -> vector<1000x128xf32>
    %swap3A_119 = arith.constant 7 : index
    %swap3A_120 = arith.constant 0 : index
    %swap3A_121 = arith.constant 0 : index
    %swap3A_122 = vector.load %arg3[%swap3A_119, %swap3A_120, %swap3A_121] : memref<27x1000x128xf32, #tpu.memory_space<vmem>>, vector<1x1000x128xf32>
    %swap3A_123 = vector.shape_cast %swap3A_122 : vector<1x1000x128xf32> to vector<1000x128xf32>
    %swap3A_124 = vector.shape_cast %dot_general3A_118 : vector<1000x128xf32> to vector<1x1000x128xf32>
    tpu.vector_store %arg3[%swap3A_119, %swap3A_120, %swap3A_121], %swap3A_124 {strides = array<i32>} : memref<27x1000x128xf32, #tpu.memory_space<vmem>>, vector<1x1000x128xf32>,
    %get3A_125 = arith.constant 0 : index
    %get3A_126 = arith.constant 0 : index
    %get3A_127 = vector.load %arg1[%get3A_125, %get3A_126] : memref<1000x128xf32, #tpu.memory_space<vmem>>, vector<1000x128xf32>
    %get3A_128 = arith.constant 8 : index
    %get3A_129 = arith.constant 0 : index
    %get3A_130 = arith.constant 0 : index
    %get3A_131 = vector.load %arg2[%get3A_128, %get3A_129, %get3A_130] : memref<27x128x128xf32, #tpu.memory_space<vmem>>, vector<1x128x128xf32>
    %get3A_132 = vector.shape_cast %get3A_131 : vector<1x128x128xf32> to vector<128x128xf32>
    %dot_general3A_133 = arith.constant dense<0.000000e+00> : vector<1000x128xf32>
    %dot_general3A_134 = tpu.matmul %get3A_127, %get3A_132, %dot_general3A_133 {dimension_numbers = #tpu.dot_dimension_numbers<[1], [0], [0], [1], [0, 0, 1, 1], [], []>, transpose_lhs_hint = false} : vector<1000x128xf32>, vector<128x128xf32>, vector<1000x128xf32> -> vector<1000x128xf32>
    %swap3A_135 = arith.constant 8 : index
    %swap3A_136 = arith.constant 0 : index
    %swap3A_137 = arith.constant 0 : index
    %swap3A_138 = vector.load %arg3[%swap3A_135, %swap3A_136, %swap3A_137] : memref<27x1000x128xf32, #tpu.memory_space<vmem>>, vector<1x1000x128xf32>
    %swap3A_139 = vector.shape_cast %swap3A_138 : vector<1x1000x128xf32> to vector<1000x128xf32>
    %swap3A_140 = vector.shape_cast %dot_general3A_134 : vector<1000x128xf32> to vector<1x1000x128xf32>
    tpu.vector_store %arg3[%swap3A_135, %swap3A_136, %swap3A_137], %swap3A_140 {strides = array<i32>} : memref<27x1000x128xf32, #tpu.memory_space<vmem>>, vector<1x1000x128xf32>,
    %get3A_141 = arith.constant 0 : index
    %get3A_142 = arith.constant 0 : index
    %get3A_143 = vector.load %arg1[%get3A_141, %get3A_142] : memref<1000x128xf32, #tpu.memory_space<vmem>>, vector<1000x128xf32>
    %get3A_144 = arith.constant 9 : index
    %get3A_145 = arith.constant 0 : index
    %get3A_146 = arith.constant 0 : index
    %get3A_147 = vector.load %arg2[%get3A_144, %get3A_145, %get3A_146] : memref<27x128x128xf32, #tpu.memory_space<vmem>>, vector<1x128x128xf32>
    %get3A_148 = vector.shape_cast %get3A_147 : vector<1x128x128xf32> to vector<128x128xf32>
    %dot_general3A_149 = arith.constant dense<0.000000e+00> : vector<1000x128xf32>
    %dot_general3A_150 = tpu.matmul %get3A_143, %get3A_148, %dot_general3A_149 {dimension_numbers = #tpu.dot_dimension_numbers<[1], [0], [0], [1], [0, 0, 1, 1], [], []>, transpose_lhs_hint = false} : vector<1000x128xf32>, vector<128x128xf32>, vector<1000x128xf32> -> vector<1000x128xf32>
    %swap3A_151 = arith.constant 9 : index
    %swap3A_152 = arith.constant 0 : index
    %swap3A_153 = arith.constant 0 : index
    %swap3A_154 = vector.load %arg3[%swap3A_151, %swap3A_152, %swap3A_153] : memref<27x1000x128xf32, #tpu.memory_space<vmem>>, vector<1x1000x128xf32>
    %swap3A_155 = vector.shape_cast %swap3A_154 : vector<1x1000x128xf32> to vector<1000x128xf32>
    %swap3A_156 = vector.shape_cast %dot_general3A_150 : vector<1000x128xf32> to vector<1x1000x128xf32>
    tpu.vector_store %arg3[%swap3A_151, %swap3A_152, %swap3A_153], %swap3A_156 {strides = array<i32>} : memref<27x1000x128xf32, #tpu.memory_space<vmem>>, vector<1x1000x128xf32>,
    %get3A_157 = arith.constant 0 : index
    %get3A_158 = arith.constant 0 : index
    %get3A_159 = vector.load %arg1[%get3A_157, %get3A_158] : memref<1000x128xf32, #tpu.memory_space<vmem>>, vector<1000x128xf32>
    %get3A_160 = arith.constant 10 : index
    %get3A_161 = arith.constant 0 : index
    %get3A_162 = arith.constant 0 : index
    %get3A_163 = vector.load %arg2[%get3A_160, %get3A_161, %get3A_162] : memref<27x128x128xf32, #tpu.memory_space<vmem>>, vector<1x128x128xf32>
    %get3A_164 = vector.shape_cast %get3A_163 : vector<1x128x128xf32> to vector<128x128xf32>
    %dot_general3A_165 = arith.constant dense<0.000000e+00> : vector<1000x128xf32>
    %dot_general3A_166 = tpu.matmul %get3A_159, %get3A_164, %dot_general3A_165 {dimension_numbers = #tpu.dot_dimension_numbers<[1], [0], [0], [1], [0, 0, 1, 1], [], []>, transpose_lhs_hint = false} : vector<1000x128xf32>, vector<128x128xf32>, vector<1000x128xf32> -> vector<1000x128xf32>
    %swap3A_167 = arith.constant 10 : index
    %swap3A_168 = arith.constant 0 : index
    %swap3A_169 = arith.constant 0 : index
    %swap3A_170 = vector.load %arg3[%swap3A_167, %swap3A_168, %swap3A_169] : memref<27x1000x128xf32, #tpu.memory_space<vmem>>, vector<1x1000x128xf32>
    %swap3A_171 = vector.shape_cast %swap3A_170 : vector<1x1000x128xf32> to vector<1000x128xf32>
    %swap3A_172 = vector.shape_cast %dot_general3A_166 : vector<1000x128xf32> to vector<1x1000x128xf32>
    tpu.vector_store %arg3[%swap3A_167, %swap3A_168, %swap3A_169], %swap3A_172 {strides = array<i32>} : memref<27x1000x128xf32, #tpu.memory_space<vmem>>, vector<1x1000x128xf32>,
    %get3A_173 = arith.constant 0 : index
    %get3A_174 = arith.constant 0 : index
    %get3A_175 = vector.load %arg1[%get3A_173, %get3A_174] : memref<1000x128xf32, #tpu.memory_space<vmem>>, vector<1000x128xf32>
    %get3A_176 = arith.constant 11 : index
    %get3A_177 = arith.constant 0 : index
    %get3A_178 = arith.constant 0 : index
    %get3A_179 = vector.load %arg2[%get3A_176, %get3A_177, %get3A_178] : memref<27x128x128xf32, #tpu.memory_space<vmem>>, vector<1x128x128xf32>
    %get3A_180 = vector.shape_cast %get3A_179 : vector<1x128x128xf32> to vector<128x128xf32>
    %dot_general3A_181 = arith.constant dense<0.000000e+00> : vector<1000x128xf32>
    %dot_general3A_182 = tpu.matmul %get3A_175, %get3A_180, %dot_general3A_181 {dimension_numbers = #tpu.dot_dimension_numbers<[1], [0], [0], [1], [0, 0, 1, 1], [], []>, transpose_lhs_hint = false} : vector<1000x128xf32>, vector<128x128xf32>, vector<1000x128xf32> -> vector<1000x128xf32>
    %swap3A_183 = arith.constant 11 : index
    %swap3A_184 = arith.constant 0 : index
    %swap3A_185 = arith.constant 0 : index
    %swap3A_186 = vector.load %arg3[%swap3A_183, %swap3A_184, %swap3A_185] : memref<27x1000x128xf32, #tpu.memory_space<vmem>>, vector<1x1000x128xf32>
    %swap3A_187 = vector.shape_cast %swap3A_186 : vector<1x1000x128xf32> to vector<1000x128xf32>
    %swap3A_188 = vector.shape_cast %dot_general3A_182 : vector<1000x128xf32> to vector<1x1000x128xf32>
    tpu.vector_store %arg3[%swap3A_183, %swap3A_184, %swap3A_185], %swap3A_188 {strides = array<i32>} : memref<27x1000x128xf32, #tpu.memory_space<vmem>>, vector<1x1000x128xf32>,
    %get3A_189 = arith.constant 0 : index
    %get3A_190 = arith.constant 0 : index
    %get3A_191 = vector.load %arg1[%get3A_189, %get3A_190] : memref<1000x128xf32, #tpu.memory_space<vmem>>, vector<1000x128xf32>
    %get3A_192 = arith.constant 12 : index
    %get3A_193 = arith.constant 0 : index
    %get3A_194 = arith.constant 0 : index
    %get3A_195 = vector.load %arg2[%get3A_192, %get3A_193, %get3A_194] : memref<27x128x128xf32, #tpu.memory_space<vmem>>, vector<1x128x128xf32>
    %get3A_196 = vector.shape_cast %get3A_195 : vector<1x128x128xf32> to vector<128x128xf32>
    %dot_general3A_197 = arith.constant dense<0.000000e+00> : vector<1000x128xf32>
    %dot_general3A_198 = tpu.matmul %get3A_191, %get3A_196, %dot_general3A_197 {dimension_numbers = #tpu.dot_dimension_numbers<[1], [0], [0], [1], [0, 0, 1, 1], [], []>, transpose_lhs_hint = false} : vector<1000x128xf32>, vector<128x128xf32>, vector<1000x128xf32> -> vector<1000x128xf32>
    %swap3A_199 = arith.constant 12 : index
    %swap3A_200 = arith.constant 0 : index
    %swap3A_201 = arith.constant 0 : index
    %swap3A_202 = vector.load %arg3[%swap3A_199, %swap3A_200, %swap3A_201] : memref<27x1000x128xf32, #tpu.memory_space<vmem>>, vector<1x1000x128xf32>
    %swap3A_203 = vector.shape_cast %swap3A_202 : vector<1x1000x128xf32> to vector<1000x128xf32>
    %swap3A_204 = vector.shape_cast %dot_general3A_198 : vector<1000x128xf32> to vector<1x1000x128xf32>
    tpu.vector_store %arg3[%swap3A_199, %swap3A_200, %swap3A_201], %swap3A_204 {strides = array<i32>} : memref<27x1000x128xf32, #tpu.memory_space<vmem>>, vector<1x1000x128xf32>,
    %get3A_205 = arith.constant 0 : index
    %get3A_206 = arith.constant 0 : index
    %get3A_207 = vector.load %arg1[%get3A_205, %get3A_206] : memref<1000x128xf32, #tpu.memory_space<vmem>>, vector<1000x128xf32>
    %get3A_208 = arith.constant 13 : index
    %get3A_209 = arith.constant 0 : index
    %get3A_210 = arith.constant 0 : index
    %get3A_211 = vector.load %arg2[%get3A_208, %get3A_209, %get3A_210] : memref<27x128x128xf32, #tpu.memory_space<vmem>>, vector<1x128x128xf32>
    %get3A_212 = vector.shape_cast %get3A_211 : vector<1x128x128xf32> to vector<128x128xf32>
    %dot_general3A_213 = arith.constant dense<0.000000e+00> : vector<1000x128xf32>
    %dot_general3A_214 = tpu.matmul %get3A_207, %get3A_212, %dot_general3A_213 {dimension_numbers = #tpu.dot_dimension_numbers<[1], [0], [0], [1], [0, 0, 1, 1], [], []>, transpose_lhs_hint = false} : vector<1000x128xf32>, vector<128x128xf32>, vector<1000x128xf32> -> vector<1000x128xf32>
    %swap3A_215 = arith.constant 13 : index
    %swap3A_216 = arith.constant 0 : index
    %swap3A_217 = arith.constant 0 : index
    %swap3A_218 = vector.load %arg3[%swap3A_215, %swap3A_216, %swap3A_217] : memref<27x1000x128xf32, #tpu.memory_space<vmem>>, vector<1x1000x128xf32>
    %swap3A_219 = vector.shape_cast %swap3A_218 : vector<1x1000x128xf32> to vector<1000x128xf32>
    %swap3A_220 = vector.shape_cast %dot_general3A_214 : vector<1000x128xf32> to vector<1x1000x128xf32>
    tpu.vector_store %arg3[%swap3A_215, %swap3A_216, %swap3A_217], %swap3A_220 {strides = array<i32>} : memref<27x1000x128xf32, #tpu.memory_space<vmem>>, vector<1x1000x128xf32>,
    %get3A_221 = arith.constant 0 : index
    %get3A_222 = arith.constant 0 : index
    %get3A_223 = vector.load %arg1[%get3A_221, %get3A_222] : memref<1000x128xf32, #tpu.memory_space<vmem>>, vector<1000x128xf32>
    %get3A_224 = arith.constant 14 : index
    %get3A_225 = arith.constant 0 : index
    %get3A_226 = arith.constant 0 : index
    %get3A_227 = vector.load %arg2[%get3A_224, %get3A_225, %get3A_226] : memref<27x128x128xf32, #tpu.memory_space<vmem>>, vector<1x128x128xf32>
    %get3A_228 = vector.shape_cast %get3A_227 : vector<1x128x128xf32> to vector<128x128xf32>
    %dot_general3A_229 = arith.constant dense<0.000000e+00> : vector<1000x128xf32>
    %dot_general3A_230 = tpu.matmul %get3A_223, %get3A_228, %dot_general3A_229 {dimension_numbers = #tpu.dot_dimension_numbers<[1], [0], [0], [1], [0, 0, 1, 1], [], []>, transpose_lhs_hint = false} : vector<1000x128xf32>, vector<128x128xf32>, vector<1000x128xf32> -> vector<1000x128xf32>
    %swap3A_231 = arith.constant 14 : index
    %swap3A_232 = arith.constant 0 : index
    %swap3A_233 = arith.constant 0 : index
    %swap3A_234 = vector.load %arg3[%swap3A_231, %swap3A_232, %swap3A_233] : memref<27x1000x128xf32, #tpu.memory_space<vmem>>, vector<1x1000x128xf32>
    %swap3A_235 = vector.shape_cast %swap3A_234 : vector<1x1000x128xf32> to vector<1000x128xf32>
    %swap3A_236 = vector.shape_cast %dot_general3A_230 : vector<1000x128xf32> to vector<1x1000x128xf32>
    tpu.vector_store %arg3[%swap3A_231, %swap3A_232, %swap3A_233], %swap3A_236 {strides = array<i32>} : memref<27x1000x128xf32, #tpu.memory_space<vmem>>, vector<1x1000x128xf32>,
    %get3A_237 = arith.constant 0 : index
    %get3A_238 = arith.constant 0 : index
    %get3A_239 = vector.load %arg1[%get3A_237, %get3A_238] : memref<1000x128xf32, #tpu.memory_space<vmem>>, vector<1000x128xf32>
    %get3A_240 = arith.constant 15 : index
    %get3A_241 = arith.constant 0 : index
    %get3A_242 = arith.constant 0 : index
    %get3A_243 = vector.load %arg2[%get3A_240, %get3A_241, %get3A_242] : memref<27x128x128xf32, #tpu.memory_space<vmem>>, vector<1x128x128xf32>
    %get3A_244 = vector.shape_cast %get3A_243 : vector<1x128x128xf32> to vector<128x128xf32>
    %dot_general3A_245 = arith.constant dense<0.000000e+00> : vector<1000x128xf32>
    %dot_general3A_246 = tpu.matmul %get3A_239, %get3A_244, %dot_general3A_245 {dimension_numbers = #tpu.dot_dimension_numbers<[1], [0], [0], [1], [0, 0, 1, 1], [], []>, transpose_lhs_hint = false} : vector<1000x128xf32>, vector<128x128xf32>, vector<1000x128xf32> -> vector<1000x128xf32>
    %swap3A_247 = arith.constant 15 : index
    %swap3A_248 = arith.constant 0 : index
    %swap3A_249 = arith.constant 0 : index
    %swap3A_250 = vector.load %arg3[%swap3A_247, %swap3A_248, %swap3A_249] : memref<27x1000x128xf32, #tpu.memory_space<vmem>>, vector<1x1000x128xf32>
    %swap3A_251 = vector.shape_cast %swap3A_250 : vector<1x1000x128xf32> to vector<1000x128xf32>
    %swap3A_252 = vector.shape_cast %dot_general3A_246 : vector<1000x128xf32> to vector<1x1000x128xf32>
    tpu.vector_store %arg3[%swap3A_247, %swap3A_248, %swap3A_249], %swap3A_252 {strides = array<i32>} : memref<27x1000x128xf32, #tpu.memory_space<vmem>>, vector<1x1000x128xf32>,
    %get3A_253 = arith.constant 0 : index
    %get3A_254 = arith.constant 0 : index
    %get3A_255 = vector.load %arg1[%get3A_253, %get3A_254] : memref<1000x128xf32, #tpu.memory_space<vmem>>, vector<1000x128xf32>
    %get3A_256 = arith.constant 16 : index
    %get3A_257 = arith.constant 0 : index
    %get3A_258 = arith.constant 0 : index
    %get3A_259 = vector.load %arg2[%get3A_256, %get3A_257, %get3A_258] : memref<27x128x128xf32, #tpu.memory_space<vmem>>, vector<1x128x128xf32>
    %get3A_260 = vector.shape_cast %get3A_259 : vector<1x128x128xf32> to vector<128x128xf32>
    %dot_general3A_261 = arith.constant dense<0.000000e+00> : vector<1000x128xf32>
    %dot_general3A_262 = tpu.matmul %get3A_255, %get3A_260, %dot_general3A_261 {dimension_numbers = #tpu.dot_dimension_numbers<[1], [0], [0], [1], [0, 0, 1, 1], [], []>, transpose_lhs_hint = false} : vector<1000x128xf32>, vector<128x128xf32>, vector<1000x128xf32> -> vector<1000x128xf32>
    %swap3A_263 = arith.constant 16 : index
    %swap3A_264 = arith.constant 0 : index
    %swap3A_265 = arith.constant 0 : index
    %swap3A_266 = vector.load %arg3[%swap3A_263, %swap3A_264, %swap3A_265] : memref<27x1000x128xf32, #tpu.memory_space<vmem>>, vector<1x1000x128xf32>
    %swap3A_267 = vector.shape_cast %swap3A_266 : vector<1x1000x128xf32> to vector<1000x128xf32>
    %swap3A_268 = vector.shape_cast %dot_general3A_262 : vector<1000x128xf32> to vector<1x1000x128xf32>
    tpu.vector_store %arg3[%swap3A_263, %swap3A_264, %swap3A_265], %swap3A_268 {strides = array<i32>} : memref<27x1000x128xf32, #tpu.memory_space<vmem>>, vector<1x1000x128xf32>,
    %get3A_269 = arith.constant 0 : index
    %get3A_270 = arith.constant 0 : index
    %get3A_271 = vector.load %arg1[%get3A_269, %get3A_270] : memref<1000x128xf32, #tpu.memory_space<vmem>>, vector<1000x128xf32>
    %get3A_272 = arith.constant 17 : index
    %get3A_273 = arith.constant 0 : index
    %get3A_274 = arith.constant 0 : index
    %get3A_275 = vector.load %arg2[%get3A_272, %get3A_273, %get3A_274] : memref<27x128x128xf32, #tpu.memory_space<vmem>>, vector<1x128x128xf32>
    %get3A_276 = vector.shape_cast %get3A_275 : vector<1x128x128xf32> to vector<128x128xf32>
    %dot_general3A_277 = arith.constant dense<0.000000e+00> : vector<1000x128xf32>
    %dot_general3A_278 = tpu.matmul %get3A_271, %get3A_276, %dot_general3A_277 {dimension_numbers = #tpu.dot_dimension_numbers<[1], [0], [0], [1], [0, 0, 1, 1], [], []>, transpose_lhs_hint = false} : vector<1000x128xf32>, vector<128x128xf32>, vector<1000x128xf32> -> vector<1000x128xf32>
    %swap3A_279 = arith.constant 17 : index
    %swap3A_280 = arith.constant 0 : index
    %swap3A_281 = arith.constant 0 : index
    %swap3A_282 = vector.load %arg3[%swap3A_279, %swap3A_280, %swap3A_281] : memref<27x1000x128xf32, #tpu.memory_space<vmem>>, vector<1x1000x128xf32>
    %swap3A_283 = vector.shape_cast %swap3A_282 : vector<1x1000x128xf32> to vector<1000x128xf32>
    %swap3A_284 = vector.shape_cast %dot_general3A_278 : vector<1000x128xf32> to vector<1x1000x128xf32>
    tpu.vector_store %arg3[%swap3A_279, %swap3A_280, %swap3A_281], %swap3A_284 {strides = array<i32>} : memref<27x1000x128xf32, #tpu.memory_space<vmem>>, vector<1x1000x128xf32>,
    %get3A_285 = arith.constant 0 : index
    %get3A_286 = arith.constant 0 : index
    %get3A_287 = vector.load %arg1[%get3A_285, %get3A_286] : memref<1000x128xf32, #tpu.memory_space<vmem>>, vector<1000x128xf32>
    %get3A_288 = arith.constant 18 : index
    %get3A_289 = arith.constant 0 : index
    %get3A_290 = arith.constant 0 : index
    %get3A_291 = vector.load %arg2[%get3A_288, %get3A_289, %get3A_290] : memref<27x128x128xf32, #tpu.memory_space<vmem>>, vector<1x128x128xf32>
    %get3A_292 = vector.shape_cast %get3A_291 : vector<1x128x128xf32> to vector<128x128xf32>
    %dot_general3A_293 = arith.constant dense<0.000000e+00> : vector<1000x128xf32>
    %dot_general3A_294 = tpu.matmul %get3A_287, %get3A_292, %dot_general3A_293 {dimension_numbers = #tpu.dot_dimension_numbers<[1], [0], [0], [1], [0, 0, 1, 1], [], []>, transpose_lhs_hint = false} : vector<1000x128xf32>, vector<128x128xf32>, vector<1000x128xf32> -> vector<1000x128xf32>
    %swap3A_295 = arith.constant 18 : index
    %swap3A_296 = arith.constant 0 : index
    %swap3A_297 = arith.constant 0 : index
    %swap3A_298 = vector.load %arg3[%swap3A_295, %swap3A_296, %swap3A_297] : memref<27x1000x128xf32, #tpu.memory_space<vmem>>, vector<1x1000x128xf32>
    %swap3A_299 = vector.shape_cast %swap3A_298 : vector<1x1000x128xf32> to vector<1000x128xf32>
    %swap3A_300 = vector.shape_cast %dot_general3A_294 : vector<1000x128xf32> to vector<1x1000x128xf32>
    tpu.vector_store %arg3[%swap3A_295, %swap3A_296, %swap3A_297], %swap3A_300 {strides = array<i32>} : memref<27x1000x128xf32, #tpu.memory_space<vmem>>, vector<1x1000x128xf32>,
    %get3A_301 = arith.constant 0 : index
    %get3A_302 = arith.constant 0 : index
    %get3A_303 = vector.load %arg1[%get3A_301, %get3A_302] : memref<1000x128xf32, #tpu.memory_space<vmem>>, vector<1000x128xf32>
    %get3A_304 = arith.constant 19 : index
    %get3A_305 = arith.constant 0 : index
    %get3A_306 = arith.constant 0 : index
    %get3A_307 = vector.load %arg2[%get3A_304, %get3A_305, %get3A_306] : memref<27x128x128xf32, #tpu.memory_space<vmem>>, vector<1x128x128xf32>
    %get3A_308 = vector.shape_cast %get3A_307 : vector<1x128x128xf32> to vector<128x128xf32>
    %dot_general3A_309 = arith.constant dense<0.000000e+00> : vector<1000x128xf32>
    %dot_general3A_310 = tpu.matmul %get3A_303, %get3A_308, %dot_general3A_309 {dimension_numbers = #tpu.dot_dimension_numbers<[1], [0], [0], [1], [0, 0, 1, 1], [], []>, transpose_lhs_hint = false} : vector<1000x128xf32>, vector<128x128xf32>, vector<1000x128xf32> -> vector<1000x128xf32>
    %swap3A_311 = arith.constant 19 : index
    %swap3A_312 = arith.constant 0 : index
    %swap3A_313 = arith.constant 0 : index
    %swap3A_314 = vector.load %arg3[%swap3A_311, %swap3A_312, %swap3A_313] : memref<27x1000x128xf32, #tpu.memory_space<vmem>>, vector<1x1000x128xf32>
    %swap3A_315 = vector.shape_cast %swap3A_314 : vector<1x1000x128xf32> to vector<1000x128xf32>
    %swap3A_316 = vector.shape_cast %dot_general3A_310 : vector<1000x128xf32> to vector<1x1000x128xf32>
    tpu.vector_store %arg3[%swap3A_311, %swap3A_312, %swap3A_313], %swap3A_316 {strides = array<i32>} : memref<27x1000x128xf32, #tpu.memory_space<vmem>>, vector<1x1000x128xf32>,
    %get3A_317 = arith.constant 0 : index
    %get3A_318 = arith.constant 0 : index
    %get3A_319 = vector.load %arg1[%get3A_317, %get3A_318] : memref<1000x128xf32, #tpu.memory_space<vmem>>, vector<1000x128xf32>
    %get3A_320 = arith.constant 20 : index
    %get3A_321 = arith.constant 0 : index
    %get3A_322 = arith.constant 0 : index
    %get3A_323 = vector.load %arg2[%get3A_320, %get3A_321, %get3A_322] : memref<27x128x128xf32, #tpu.memory_space<vmem>>, vector<1x128x128xf32>
    %get3A_324 = vector.shape_cast %get3A_323 : vector<1x128x128xf32> to vector<128x128xf32>
    %dot_general3A_325 = arith.constant dense<0.000000e+00> : vector<1000x128xf32>
    %dot_general3A_326 = tpu.matmul %get3A_319, %get3A_324, %dot_general3A_325 {dimension_numbers = #tpu.dot_dimension_numbers<[1], [0], [0], [1], [0, 0, 1, 1], [], []>, transpose_lhs_hint = false} : vector<1000x128xf32>, vector<128x128xf32>, vector<1000x128xf32> -> vector<1000x128xf32>
    %swap3A_327 = arith.constant 20 : index
    %swap3A_328 = arith.constant 0 : index
    %swap3A_329 = arith.constant 0 : index
    %swap3A_330 = vector.load %arg3[%swap3A_327, %swap3A_328, %swap3A_329] : memref<27x1000x128xf32, #tpu.memory_space<vmem>>, vector<1x1000x128xf32>
    %swap3A_331 = vector.shape_cast %swap3A_330 : vector<1x1000x128xf32> to vector<1000x128xf32>
    %swap3A_332 = vector.shape_cast %dot_general3A_326 : vector<1000x128xf32> to vector<1x1000x128xf32>
    tpu.vector_store %arg3[%swap3A_327, %swap3A_328, %swap3A_329], %swap3A_332 {strides = array<i32>} : memref<27x1000x128xf32, #tpu.memory_space<vmem>>, vector<1x1000x128xf32>,
    %get3A_333 = arith.constant 0 : index
    %get3A_334 = arith.constant 0 : index
    %get3A_335 = vector.load %arg1[%get3A_333, %get3A_334] : memref<1000x128xf32, #tpu.memory_space<vmem>>, vector<1000x128xf32>
    %get3A_336 = arith.constant 21 : index
    %get3A_337 = arith.constant 0 : index
    %get3A_338 = arith.constant 0 : index
    %get3A_339 = vector.load %arg2[%get3A_336, %get3A_337, %get3A_338] : memref<27x128x128xf32, #tpu.memory_space<vmem>>, vector<1x128x128xf32>
    %get3A_340 = vector.shape_cast %get3A_339 : vector<1x128x128xf32> to vector<128x128xf32>
    %dot_general3A_341 = arith.constant dense<0.000000e+00> : vector<1000x128xf32>
    %dot_general3A_342 = tpu.matmul %get3A_335, %get3A_340, %dot_general3A_341 {dimension_numbers = #tpu.dot_dimension_numbers<[1], [0], [0], [1], [0, 0, 1, 1], [], []>, transpose_lhs_hint = false} : vector<1000x128xf32>, vector<128x128xf32>, vector<1000x128xf32> -> vector<1000x128xf32>
    %swap3A_343 = arith.constant 21 : index
    %swap3A_344 = arith.constant 0 : index
    %swap3A_345 = arith.constant 0 : index
    %swap3A_346 = vector.load %arg3[%swap3A_343, %swap3A_344, %swap3A_345] : memref<27x1000x128xf32, #tpu.memory_space<vmem>>, vector<1x1000x128xf32>
    %swap3A_347 = vector.shape_cast %swap3A_346 : vector<1x1000x128xf32> to vector<1000x128xf32>
    %swap3A_348 = vector.shape_cast %dot_general3A_342 : vector<1000x128xf32> to vector<1x1000x128xf32>
    tpu.vector_store %arg3[%swap3A_343, %swap3A_344, %swap3A_345], %swap3A_348 {strides = array<i32>} : memref<27x1000x128xf32, #tpu.memory_space<vmem>>, vector<1x1000x128xf32>,
    %get3A_349 = arith.constant 0 : index
    %get3A_350 = arith.constant 0 : index
    %get3A_351 = vector.load %arg1[%get3A_349, %get3A_350] : memref<1000x128xf32, #tpu.memory_space<vmem>>, vector<1000x128xf32>
    %get3A_352 = arith.constant 22 : index
    %get3A_353 = arith.constant 0 : index
    %get3A_354 = arith.constant 0 : index
    %get3A_355 = vector.load %arg2[%get3A_352, %get3A_353, %get3A_354] : memref<27x128x128xf32, #tpu.memory_space<vmem>>, vector<1x128x128xf32>
    %get3A_356 = vector.shape_cast %get3A_355 : vector<1x128x128xf32> to vector<128x128xf32>
    %dot_general3A_357 = arith.constant dense<0.000000e+00> : vector<1000x128xf32>
    %dot_general3A_358 = tpu.matmul %get3A_351, %get3A_356, %dot_general3A_357 {dimension_numbers = #tpu.dot_dimension_numbers<[1], [0], [0], [1], [0, 0, 1, 1], [], []>, transpose_lhs_hint = false} : vector<1000x128xf32>, vector<128x128xf32>, vector<1000x128xf32> -> vector<1000x128xf32>
    %swap3A_359 = arith.constant 22 : index
    %swap3A_360 = arith.constant 0 : index
    %swap3A_361 = arith.constant 0 : index
    %swap3A_362 = vector.load %arg3[%swap3A_359, %swap3A_360, %swap3A_361] : memref<27x1000x128xf32, #tpu.memory_space<vmem>>, vector<1x1000x128xf32>
    %swap3A_363 = vector.shape_cast %swap3A_362 : vector<1x1000x128xf32> to vector<1000x128xf32>
    %swap3A_364 = vector.shape_cast %dot_general3A_358 : vector<1000x128xf32> to vector<1x1000x128xf32>
    tpu.vector_store %arg3[%swap3A_359, %swap3A_360, %swap3A_361], %swap3A_364 {strides = array<i32>} : memref<27x1000x128xf32, #tpu.memory_space<vmem>>, vector<1x1000x128xf32>,
    %get3A_365 = arith.constant 0 : index
    %get3A_366 = arith.constant 0 : index
    %get3A_367 = vector.load %arg1[%get3A_365, %get3A_366] : memref<1000x128xf32, #tpu.memory_space<vmem>>, vector<1000x128xf32>
    %get3A_368 = arith.constant 23 : index
    %get3A_369 = arith.constant 0 : index
    %get3A_370 = arith.constant 0 : index
    %get3A_371 = vector.load %arg2[%get3A_368, %get3A_369, %get3A_370] : memref<27x128x128xf32, #tpu.memory_space<vmem>>, vector<1x128x128xf32>
    %get3A_372 = vector.shape_cast %get3A_371 : vector<1x128x128xf32> to vector<128x128xf32>
    %dot_general3A_373 = arith.constant dense<0.000000e+00> : vector<1000x128xf32>
    %dot_general3A_374 = tpu.matmul %get3A_367, %get3A_372, %dot_general3A_373 {dimension_numbers = #tpu.dot_dimension_numbers<[1], [0], [0], [1], [0, 0, 1, 1], [], []>, transpose_lhs_hint = false} : vector<1000x128xf32>, vector<128x128xf32>, vector<1000x128xf32> -> vector<1000x128xf32>
    %swap3A_375 = arith.constant 23 : index
    %swap3A_376 = arith.constant 0 : index
    %swap3A_377 = arith.constant 0 : index
    %swap3A_378 = vector.load %arg3[%swap3A_375, %swap3A_376, %swap3A_377] : memref<27x1000x128xf32, #tpu.memory_space<vmem>>, vector<1x1000x128xf32>
    %swap3A_379 = vector.shape_cast %swap3A_378 : vector<1x1000x128xf32> to vector<1000x128xf32>
    %swap3A_380 = vector.shape_cast %dot_general3A_374 : vector<1000x128xf32> to vector<1x1000x128xf32>
    tpu.vector_store %arg3[%swap3A_375, %swap3A_376, %swap3A_377], %swap3A_380 {strides = array<i32>} : memref<27x1000x128xf32, #tpu.memory_space<vmem>>, vector<1x1000x128xf32>,
    %get3A_381 = arith.constant 0 : index
    %get3A_382 = arith.constant 0 : index
    %get3A_383 = vector.load %arg1[%get3A_381, %get3A_382] : memref<1000x128xf32, #tpu.memory_space<vmem>>, vector<1000x128xf32>
    %get3A_384 = arith.constant 24 : index
    %get3A_385 = arith.constant 0 : index
    %get3A_386 = arith.constant 0 : index
    %get3A_387 = vector.load %arg2[%get3A_384, %get3A_385, %get3A_386] : memref<27x128x128xf32, #tpu.memory_space<vmem>>, vector<1x128x128xf32>
    %get3A_388 = vector.shape_cast %get3A_387 : vector<1x128x128xf32> to vector<128x128xf32>
    %dot_general3A_389 = arith.constant dense<0.000000e+00> : vector<1000x128xf32>
    %dot_general3A_390 = tpu.matmul %get3A_383, %get3A_388, %dot_general3A_389 {dimension_numbers = #tpu.dot_dimension_numbers<[1], [0], [0], [1], [0, 0, 1, 1], [], []>, transpose_lhs_hint = false} : vector<1000x128xf32>, vector<128x128xf32>, vector<1000x128xf32> -> vector<1000x128xf32>
    %swap3A_391 = arith.constant 24 : index
    %swap3A_392 = arith.constant 0 : index
    %swap3A_393 = arith.constant 0 : index
    %swap3A_394 = vector.load %arg3[%swap3A_391, %swap3A_392, %swap3A_393] : memref<27x1000x128xf32, #tpu.memory_space<vmem>>, vector<1x1000x128xf32>
    %swap3A_395 = vector.shape_cast %swap3A_394 : vector<1x1000x128xf32> to vector<1000x128xf32>
    %swap3A_396 = vector.shape_cast %dot_general3A_390 : vector<1000x128xf32> to vector<1x1000x128xf32>
    tpu.vector_store %arg3[%swap3A_391, %swap3A_392, %swap3A_393], %swap3A_396 {strides = array<i32>} : memref<27x1000x128xf32, #tpu.memory_space<vmem>>, vector<1x1000x128xf32>,
    %get3A_397 = arith.constant 0 : index
    %get3A_398 = arith.constant 0 : index
    %get3A_399 = vector.load %arg1[%get3A_397, %get3A_398] : memref<1000x128xf32, #tpu.memory_space<vmem>>, vector<1000x128xf32>
    %get3A_400 = arith.constant 25 : index
    %get3A_401 = arith.constant 0 : index
    %get3A_402 = arith.constant 0 : index
    %get3A_403 = vector.load %arg2[%get3A_400, %get3A_401, %get3A_402] : memref<27x128x128xf32, #tpu.memory_space<vmem>>, vector<1x128x128xf32>
    %get3A_404 = vector.shape_cast %get3A_403 : vector<1x128x128xf32> to vector<128x128xf32>
    %dot_general3A_405 = arith.constant dense<0.000000e+00> : vector<1000x128xf32>
    %dot_general3A_406 = tpu.matmul %get3A_399, %get3A_404, %dot_general3A_405 {dimension_numbers = #tpu.dot_dimension_numbers<[1], [0], [0], [1], [0, 0, 1, 1], [], []>, transpose_lhs_hint = false} : vector<1000x128xf32>, vector<128x128xf32>, vector<1000x128xf32> -> vector<1000x128xf32>
    %swap3A_407 = arith.constant 25 : index
    %swap3A_408 = arith.constant 0 : index
    %swap3A_409 = arith.constant 0 : index
    %swap3A_410 = vector.load %arg3[%swap3A_407, %swap3A_408, %swap3A_409] : memref<27x1000x128xf32, #tpu.memory_space<vmem>>, vector<1x1000x128xf32>
    %swap3A_411 = vector.shape_cast %swap3A_410 : vector<1x1000x128xf32> to vector<1000x128xf32>
    %swap3A_412 = vector.shape_cast %dot_general3A_406 : vector<1000x128xf32> to vector<1x1000x128xf32>
    tpu.vector_store %arg3[%swap3A_407, %swap3A_408, %swap3A_409], %swap3A_412 {strides = array<i32>} : memref<27x1000x128xf32, #tpu.memory_space<vmem>>, vector<1x1000x128xf32>,
    %get3A_413 = arith.constant 0 : index
    %get3A_414 = arith.constant 0 : index
    %get3A_415 = vector.load %arg1[%get3A_413, %get3A_414] : memref<1000x128xf32, #tpu.memory_space<vmem>>, vector<1000x128xf32>
    %get3A_416 = arith.constant 26 : index
    %get3A_417 = arith.constant 0 : index
    %get3A_418 = arith.constant 0 : index
    %get3A_419 = vector.load %arg2[%get3A_416, %get3A_417, %get3A_418] : memref<27x128x128xf32, #tpu.memory_space<vmem>>, vector<1x128x128xf32>
    %get3A_420 = vector.shape_cast %get3A_419 : vector<1x128x128xf32> to vector<128x128xf32>
    %dot_general3A_421 = arith.constant dense<0.000000e+00> : vector<1000x128xf32>
    %dot_general3A_422 = tpu.matmul %get3A_415, %get3A_420, %dot_general3A_421 {dimension_numbers = #tpu.dot_dimension_numbers<[1], [0], [0], [1], [0, 0, 1, 1], [], []>, transpose_lhs_hint = false} : vector<1000x128xf32>, vector<128x128xf32>, vector<1000x128xf32> -> vector<1000x128xf32>
    %swap3A_423 = arith.constant 26 : index
    %swap3A_424 = arith.constant 0 : index
    %swap3A_425 = arith.constant 0 : index
    %swap3A_426 = vector.load %arg3[%swap3A_423, %swap3A_424, %swap3A_425] : memref<27x1000x128xf32, #tpu.memory_space<vmem>>, vector<1x1000x128xf32>
    %swap3A_427 = vector.shape_cast %swap3A_426 : vector<1x1000x128xf32> to vector<1000x128xf32>
    %swap3A_428 = vector.shape_cast %dot_general3A_422 : vector<1000x128xf32> to vector<1x1000x128xf32>
    tpu.vector_store %arg3[%swap3A_423, %swap3A_424, %swap3A_425], %swap3A_428 {strides = array<i32>} : memref<27x1000x128xf32, #tpu.memory_space<vmem>>, vector<1x1000x128xf32>,
    return
  }
  func.func @transform_0(%arg0: i32) -> (i32, i32) {
    %c0_i32 = arith.constant 0 : i32
    %c0_i32_0 = arith.constant 0 : i32
    return %arg0, %c0_i32 : i32, i32
  }
  func.func @transform_1(%arg0: i32) -> (i32, i32, i32) {
    %c0_i32 = arith.constant 0 : i32
    %c0_i32_0 = arith.constant 0 : i32
    %c0_i32_1 = arith.constant 0 : i32
    %c0_i32_2 = arith.constant 0 : i32
    return %c0_i32, %c0_i32_0, %c0_i32_1 : i32, i32, i32
  }
  func.func @transform_2(%arg0: i32) -> (i32, i32, i32) {
    %c0_i32 = arith.constant 0 : i32
    %c0_i32_0 = arith.constant 0 : i32
    %c0_i32_1 = arith.constant 0 : i32
    return %c0_i32, %arg0, %c0_i32_0 : i32, i32, i32
  }
}

</mosaic_0001>

<sc_bundles>
// kernel: kernel.5.cloned.1.call-start
scs
__scs_entry_jumppad:
0x0: {  	(pc) =	sbr.rel $0x88, $3  }
0x1: {  	(tag) =	ssettag $0x0;
	lr =	simm.s32 $0x1  }
0x2: {  	[smem:$0x3F9B] =	sst lr;
	_ =	strace $0xD0000000  }
0x3: {  	_ = 	snop  }
0x4: {  	_ = 	snop  }
0x5: {  	_ = 	snop  }
0x6: {  	_ = 	snop  }
0x7: {  	_ = 	snop  }
__scs_overlays_trampoline_lowered:
0x8: {  	[smem:$0x3FAA] =	sst s0  }
0x9: {  	[smem:$0x3FAB] =	sst s1  }
0xa: {  	[smem:$0x3FAC] =	sst s2  }
0xb: {  	[smem:$0x3FAD] =	sst s3  }
0xc: {  	[smem:$0x3FAE] =	sst s4  }
0xd: {  	[smem:$0x3FAF] =	sst s5  }
0xe: {  	[smem:$0x3FB0] =	sst s6  }
0xf: {  	[smem:$0x3FB1] =	sst s7  }
0x10: {  	[smem:$0x3FB2] =	sst s8  }
0x11: {  	[smem:$0x3FB3] =	sst s9;
	s0 =	simm.s32 @!p0 $0x0  }
0x12: {  	s1 =	sld [smem:$0x3F99];
	s0 =	simm.s32 @p0 $0x1  }
0x13: {  	[smem:$0x3FB4] =	sst s0;
	s0 =	simm.s32 @!p1 $0x0  }
0x14: {  	s2 =	sld [smem:$0x3F98];
	s0 =	simm.s32 @p1 $0x1  }
0x15: {  	[smem:$0x3FB5] =	sst s0;
	s0 =	simm.s32 @!p2 $0x0  }
0x16: {  	s3 =	sld [smem:$0x3FDB];
	s0 =	simm.s32 @p2 $0x1  }
0x17: {  	s4 =	simm.s32 $0x1BF5;
	[smem:$0x3FB7] =	sst s0  }
0x18: {  	s0 =	sld [smem:$0x3F9A];
	_ =	swait.ge [sflag:s4], $0x0  }
0x19: {  	s7 =	sld [smem:$0x3F9B]  }
0x1a: {  	s8 =	sadd.s32 $0xFFFFE003, lr  }
0x1b: {  	s9 =	sadd.s32 $0xFFFFFEF7, lr;
	s5 =	simm.s32 $0xFFFFFFFF;
	p2 =	slt.u32 s8, $0xFFFFF086  }
0x1c: {  	p1 =	slt.u32 s9, $0xF7A;
	s5 =	simm.s32 @!p2 $0x0  }
0x1d: {  	s5 =	simm.s32 @p1 $0x1;
	p0 =	seq.s32 s7, s2  }
0x1e: {  	s7 =	smul.u32 @!p0 $0xF7A, s2;
	p2 =	seq.s32 @!p0 s5, $0x0  }
0x1f: {  	s9 =	smul.u32 $0xF7A, s1;
	s8 =	simm.s32 @!p0 $0x1BF5;
	p2 =	por !p2, p0  }
0x20: {  	[sflag:s8] =	ssyncset.s32 @!p0 $0xFFFFF086;
	s6 =	sadd.s32 @!p0 s3, s7;
	s7 =	simm.s32 @!p0 $0x108  }
0x21: {  	s3 =	sadd.s32 s3, s9;
	s6 =	sadd.s32 @!p0 $0x88, s6;
	s7 =	simm.s32 @p2 $0x1082  }
0x22: {  	[simem:s7], [sflag:s8] =	dma.local @!p0 [hbm:s6], $0xF7A  }
0x23: {  	s9 =	sor.u32 $0xD0000000, s2;
	s6 =	simm.s32 $0x108;
	_ =	swait.ge @!p0 [sflag:s8], $0x0  }
0x24: {  	s3 =	sadd.s32 $0x88, s3;
	s6 =	simm.s32 @!p1 $0x1082;
	[sflag:s4] =	ssyncset.s32 $0xFFFFF086  }
0x25: {  	[simem:s6], [sflag:s4] =	dma.local [hbm:s3], $0xF7A  }
0x26: {  	[smem:$0x3F9B] =	sst s1;
	(tag) =	ssettag s2;
	_ =	strace s9  }
0x27: {  	s1 =	sld [smem:$0x3FAB]  }
0x28: {  	s2 =	sld [smem:$0x3FAC]  }
0x29: {  	s4 =	sld [smem:$0x3FAE]  }
0x2a: {  	p0 =	seq.s32 s5, $0x0;
	s5 =	sld [smem:$0x3FAF]  }
0x2b: {  	s6 =	sld [smem:$0x3FB0]  }
0x2c: {  	s7 =	sld [smem:$0x3FB1]  }
0x2d: {  	s3 =	simm.s32 $0x108;
	s8 =	sld [smem:$0x3FB2]  }
0x2e: {  	s3 =	simm.s32 @!p0 $0x1082;
	s9 =	sld [smem:$0x3FB3]  }
0x2f: {  	lr =	sadd.s32 s0, s3;
	s0 =	sld [smem:$0x3FAA]  }
0x30: {  	s3 =	sld [smem:$0x3FAD]  }
0x31: {  	[smem:$0x3FB6] =	sst s10  }
0x32: {  	s10 =	sld [smem:$0x3FB4];
	_ =	sdelay $0x3  }
0x33: {  	p0 =	seq.s32 s10, $0x1;
	s10 =	sld [smem:$0x3FB6];
	_ =	sdelay $0x3  }
0x34: {  	[smem:$0x3FB6] =	sst s10  }
0x35: {  	s10 =	sld [smem:$0x3FB5];
	_ =	sdelay $0x3  }
0x36: {  	p1 =	seq.s32 s10, $0x1;
	s10 =	sld [smem:$0x3FB6];
	_ =	sdelay $0x3  }
0x37: {  	[smem:$0x3FB6] =	sst s10  }
0x38: {  	s10 =	sld [smem:$0x3FB7]  }
0x39: {  	_ = 	snop;
	(pc) =	sbr.ind lr, $3  }
0x3a: {  	_ = 	snop  }
0x3b: {  	_ = 	snop  }
0x3c: {  	p2 =	seq.s32 s10, $0x1;
	s10 =	sld [smem:$0x3FB6]  }
0x3d: {  	_ =	shalt  }
0x3e: {  	_ =	shalt  }
0x3f: {  	_ =	shalt  }
0x40: {  	_ =	shalt  }
0x41: {  	_ =	shalt  }
0x42: {  	_ =	shalt  }
0x43: {  	_ =	shalt  }
0x44: {  	_ =	shalt  }
0x45: {  	_ =	shalt  }
0x46: {  	_ =	shalt  }
0x47: {  	_ =	shalt  }
0x48: {  	_ =	shalt  }
0x49: {  	_ =	shalt  }
0x4a: {  	_ =	shalt  }
0x4b: {  	_ =	shalt  }
0x4c: {  	_ =	shalt  }
0x4d: {  	_ =	shalt  }
0x4e: {  	_ =	shalt  }
0x4f: {  	_ =	shalt  }
0x50: {  	_ =	shalt  }
0x51: {  	_ =	shalt  }
0x52: {  	_ =	shalt  }
0x53: {  	_ =	shalt  }
0x54: {  	_ =	shalt  }
0x55: {  	_ =	shalt  }
0x56: {  	_ =	shalt  }
0x57: {  	_ =	shalt  }
0x58: {  	_ =	shalt  }
0x59: {  	_ =	shalt  }
0x5a: {  	_ =	shalt  }
0x5b: {  	_ =	shalt  }
0x5c: {  	_ =	shalt  }
0x5d: {  	_ =	shalt  }
0x5e: {  	_ =	shalt  }
0x5f: {  	_ =	shalt  }
0x60: {  	_ =	shalt  }
0x61: {  	_ =	shalt  }
0x62: {  	_ =	shalt  }
0x63: {  	_ =	shalt  }
0x64: {  	_ =	shalt  }
0x65: {  	_ =	shalt  }
0x66: {  	_ =	shalt  }
0x67: {  	_ =	shalt  }
0x68: {  	_ =	shalt  }
0x69: {  	_ =	shalt  }
0x6a: {  	_ =	shalt  }
0x6b: {  	_ =	shalt  }
0x6c: {  	_ =	shalt  }
0x6d: {  	_ =	shalt  }
0x6e: {  	_ =	shalt  }
0x6f: {  	_ =	shalt  }
0x70: {  	_ =	shalt  }
0x71: {  	_ =	shalt  }
0x72: {  	_ =	shalt  }
0x73: {  	_ =	shalt  }
0x74: {  	_ =	shalt  }
0x75: {  	_ =	shalt  }
0x76: {  	_ =	shalt  }
0x77: {  	_ =	shalt  }
0x78: {  	_ =	shalt  }
0x79: {  	_ =	shalt  }
0x7a: {  	_ =	shalt  }
0x7b: {  	_ =	shalt  }
0x7c: {  	_ =	shalt  }
0x7d: {  	_ =	shalt  }
0x7e: {  	_ =	shalt  }
0x7f: {  	_ =	shalt  }
0x80: {  	_ =	shalt  }
0x81: {  	_ =	shalt  }
0x82: {  	_ =	shalt  }
0x83: {  	_ =	shalt  }
0x84: {  	_ =	shalt  }
0x85: {  	_ =	shalt  }
0x86: {  	_ =	shalt  }
0x87: {  	_ =	shalt  }
.Lfunc_end0:
.L_simem_size_0:
called_computation_lowered:
.L_overlay_start_0:
0x88: {  	s2 =	sld [smem:$0x3FD9]  }
0x89: {  	s3 =	sld [smem:$0x3FFE];
	_ =	sdelay $0x1  }
0x8a: {  	s1 =	srdreg.scid  }
0x8b: {  	s0 =	sand.u32 $0x1, s1  }
0x8c: {  	s17 =	sshll.u32 s0, $0xA;
	s2 =	sadd.s32 s3, s2  }
0x8d: {  	s2 =	sadd.s32 s2, s17  }
0x8e: {  	[smem:$0x3FC2] =	sst s2  }
0x8f: {  	_ = 	snop  }
0x90: {  	s2 =	sld [smem:$0x3FC7]  }
0x91: {  	s18 =	sld [smem:$0x3FD0];
	(tm) =	ssettm $0x1  }
0x92: {  	s4 =	sld [smem:$0x3FFB];
	_ =	sdelay $0x3  }
0x93: {  	_ =	strace s4  }
0x94: {  	s4 =	sld [smem:$0x3FFC];
	_ =	sdelay $0x3  }
0x95: {  	_ =	strace s4  }
0x96: {  	s4 =	sld [smem:$0x3FFD];
	_ =	sdelay $0x3  }
0x97: {  	_ =	strace s4  }
0x98: {  	_ =	strace $0x8FFFFFFF  }
0x99: {  	s19 =	sld [smem:$0x3FDB];
	_ =	sdelay $0x1  }
0x9a: {  	s5 =	simm.s32 $_scs_section_size  }
0x9b: {  	s6 =	simm.s32 $_size__tile_overlayer_lowered;
	s7 =	simm.s32 $_tile_overlayer_lowered  }
0x9c: {  	s22 =	simm.s32 $0x1BFF;
	s21 =	sshll.u32 s7, $0x1;
	s4 =	sadd.s32 s5, s19  }
0x9d: {  	s8 =	simm.s32 $0x0;
	s20 =	sshll.u32 s6, $0x1;
	s6 =	sadd.s32 s21, s4  }
0x9e: {  	[timem:s8], [sflag:s22] =	dma.local [hbm:s6], s20  }
0x9f: {  	_ =	swait.ge [sflag:s22], s20  }
0xa0: {  	s5 =	ssub.s32 $0x0, s20;
	[sflag:s22] =	ssyncset.done $0x0  }
0xa1: {  	[sflag:s22] =	ssyncadd.s32 s5;
	_ =	sdelay $0x1  }
0xa2: {  	s23 =	simm.s32 $0x1B8B  }
0xa3: {  	_ =	swait.ge [sflag:s23], $0x1  }
0xa4: {  	[sflag:s23] =	ssyncset.done $0x0  }
0xa5: {  	s25 =	simm.s32 $0x1B8E;
	s24 =	sld [smem:$0x3FFE];
	[sflag:s23] =	ssyncadd.s32 $0xFFFFFFFF  }
0xa6: {  	s26 =	simm.s32 $execute0_lowered;
	[smem:$0x3FD2] =	sst s25  }
0xa7: {  	s6 =	sshll.u32 s26, $0x1;
	_ =	strace $0x80000046;
	[dreg:$0x1] =	wrdreg $0xFFFFFFFF  }
0xa8: {  	s28 =	simm.s32 $_size_execute0_lowered;
	s4 =	sadd.s32 s4, s6;
	[dreg:$0x0] =	wrdreg $0x0  }
0xa9: {  	s6 =	sshll.u32 s28, $0x1;
	[dreg:$0x2] =	wrdreg s4  }
0xaa: {  	[dreg:$0x3] =	wrdreg s6  }
0xab: {  	[dreg:$0x4] =	wrdreg $0xC0  }
0xac: {  	_ =	task [dreg:s8], $0x5FFFF  }
0xad: {  	[dreg:$0x1] =	wrdreg $0xFFFFFFFF  }
0xae: {  	[dreg:$0x0] =	wrdreg $0x60  }
0xaf: {  	[dreg:$0x2] =	wrdreg s24  }
0xb0: {  	[dreg:$0x3] =	wrdreg s18  }
0xb1: {  	[dreg:$0x4] =	wrdreg s2  }
0xb2: {  	[dreg:$0x5] =	wrdreg $0xBD000  }
0xb3: {  	[dreg:$0x6] =	wrdreg $0x9  }
0xb4: {  	_ =	task.clear_ibuf [dreg:s8], $0x7FFFF;
	_ =	strace $0x90000046  }
0xb5: {  	s29 =	simm.s32 $0x9;
	_ =	strace $0x80000048  }
0xb6: {  	_ =	swait.ge [sflag:s29], $0x1  }
0xb7: {  	[sflag:s29] =	ssyncadd.s32 $0xFFFFFFFF  }
0xb8: {  	_ =	strace $0x90000048  }
0xb9: {  	_ =	sfence  }
0xba: {  	s30 =	sld [smem:$0x0];
	_ =	sdelay $0x2  }
0xbb: {  	s31 =	sshll.u32 s1, $0xD;
	s1 =	sshrl.u32 s1, $0x2  }
0xbc: {  	s3 =	sand.u32 $0x4000, s31;
	s1 =	sadd.s32 s1, s30  }
0xbd: {  	s0 =	sor.u32 s3, s0;
	s1 =	sshll.u32 s1, $0x11  }
0xbe: {  	s0 =	sor.u32 s1, s0  }
0xbf: {  	s0 =	sadd.s32 $0x8F2B, s0  }
0xc0: {  	[sflag:s0] =	ssyncadd.remote.s32 $0x1  }
0xc1: {  	_ =	sfence.sel $0xFFFF  }
0xc2: {  	[dreg:$0x0] =	wrdreg $0xFFFFFFFF;
	(pc) =	sbr.abs _section_cstart, $3  }
0xc3: {  	[dreg:$0x1] =	wrdreg $0xFFFFFFFF  }
0xc4: {  	_ =	task.clear_ibuf [dreg:s8], $0x2FFFF;
	_ =	strace $0x9FFFFFFF  }
0xc5: {  	(tm) =	ssettm $0x7FFFFFFF  }
tec
execute0_lowered:
.L_overlay_start_1:
0x0: {  	(tag) =	ssettag $0x1  }
0x1: {  	s0 =	rddreg [dreg:$0x0]  }
0x2: {  	s1 =	rddreg [dreg:$0x1]  }
0x3: {  	s5 =	rddreg [dreg:$0x2]  }
0x4: {  	s3 =	srdreg.scid;
	s10 =	stileid.u32  }
0x5: {  	s7 =	sand.u32 $0x1, s3;
	s6 =	smul.u32 $0x280, s10;
	s4 =	sshll.u32 s10, $0x1  }
0x6: {  	s2 =	rddreg [dreg:$0x3];
	s8 =	smul.u32 $0x2800, s7;
	s4 =	sor.u32 s7, s4  }
0x7: {  	s3 =	simm.s32 $0x0;
	s18 =	ssub.s32 $0x2, s7;
	s9 =	smul.u32 $0x2710, s4  }
0x8: {  	[smem:$0x7FF] =	sst s3;
	s19 =	sshrl.u32 s18, $0x1  }
0x9: {  	s6 =	sadd.s32 s6, s8;
	s8 =	ssub.s32 s18, s19;
	s9 =	sshrl.u32 s9, $0x3  }
0xa: {  	_ =	strace $0x80000047;
	s31 =	smax.u32 s8, $0x1;
	s5 =	sadd.s32 s5, s9  }
0xb: {  	s4 =	sadd.s32 $0xE00, s0;
	[dreg:$0xd] =	wrdreg s31;
	s20 =	sadd.s32 $0xFA, s5  }
0xc: {  	s6 =	sshll.u32 s6, $0x4;
	s21 =	sadd.s32 $0x1F4, s5;
	[dreg:$0x5] =	wrdreg s20  }
0xd: {  	s0 =	sadd.s32 s6, s0;
	s22 =	sadd.s32 $0x2EE, s5;
	[dreg:$0x6] =	wrdreg s21  }
0xe: {  	s6 =	sadd.s32 s1, s9;
	s11 =	sadd.s32 $0x3E8, s5;
	[dreg:$0x7] =	wrdreg s22  }
0xf: {  	s23 =	smul.u32 $0x50000, s10;
	s24 =	sadd.s32 $0x9C40, s6;
	[dreg:$0x8] =	wrdreg s11  }
0x10: {  	s25 =	sadd.s32 $0x9C4A, s6;
	[dreg:$0x9] =	wrdreg s24  }
0x11: {  	s9 =	sshrl.u32 s23, $0x2;
	s26 =	sadd.s32 $0x9C54, s6;
	[dreg:$0xa] =	wrdreg s25  }
0x12: {  	s14 =	sadd.s32 s9, s2;
	s0 =	sadd.s32 $0x41FA00, s0;
	[dreg:$0xb] =	wrdreg s26  }
0x13: {  	[dreg:$0xc] =	wrdreg s0;
	s8 =	sadd.s32 $0x1400, s14  }
0x14: {  	s9 =	sadd.s32 $0x2800, s14;
	[dreg:$0xe] =	wrdreg s8  }
0x15: {  	s11 =	sadd.s32 $0x3C00, s14;
	[dreg:$0xf] =	wrdreg s9  }
0x16: {  	s12 =	sadd.s32 $0x5000, s14;
	[dreg:$0x10] =	wrdreg s11  }
0x17: {  	s13 =	sadd.s32 $0x6400, s14;
	[dreg:$0x11] =	wrdreg s12  }
0x18: {  	s28 =	simm.s32 $0x3;
	s17 =	sadd.s32 $0x7800, s14;
	[dreg:$0x12] =	wrdreg s13  }
0x19: {  	s10 =	smul.u32 $0x4E20, s10;
	s18 =	sadd.s32 $0x8C00, s14;
	[dreg:$0x13] =	wrdreg s17  }
0x1a: {  	s30 =	smul.u32 $0x2710, s7;
	s19 =	sadd.s32 $0xA000, s14;
	[dreg:$0x14] =	wrdreg s18  }
0x1b: {  	s29 =	simm.s32 $0x0;
	s20 =	sadd.s32 $0xB400, s14;
	[dreg:$0x15] =	wrdreg s19  }
0x1c: {  	s0 =	sadd.s32 s30, s10;
	s21 =	sadd.s32 $0xC800, s14;
	[dreg:$0x16] =	wrdreg s20  }
0x1d: {  	s25 =	sadd.s32 $0xDC00, s14;
	s26 =	sadd.s32 $0xF000, s14;
	[dreg:$0x17] =	wrdreg s21  }
0x1e: {  	s30 =	sadd.s32 $0x10400, s14;
	s31 =	sadd.s32 $0x11800, s14;
	[dreg:$0x18] =	wrdreg s25  }
0x1f: {  	s10 =	sadd.s32 $0xA118, s6;
	s15 =	sadd.s32 $0x4E390, s0;
	[dreg:$0x19] =	wrdreg s26  }
0x20: {  	s16 =	sadd.s32 $0x4E340, s0;
	s0 =	sadd.s32 $0x4E2F0, s0;
	[dreg:$0x1a] =	wrdreg s30  }
0x21: {  	[dreg:$0x1b] =	wrdreg s31;
	s9 =	sadd.s32 $0xA10E, s6;
	s11 =	simm.s32 $0x4  }
0x22: {  	s12 =	simm.s32 $0x2780;
	s13 =	simm.s32 $0x2F80;
	s17 =	simm.s32 $0x5800  }
0x23: {  	s18 =	simm.s32 $0x5880;
	s19 =	simm.s32 $0x8080;
	s20 =	simm.s32 $0x8100  }
0x24: {  	s21 =	simm.s32 $0xA900;
	s25 =	simm.s32 $0x1;
	s26 =	simm.s32 $0x2  }
0x25: {  	s7 =	sshrl.u32 s15, $0x3;
	s8 =	sshrl.u32 s16, $0x3;
	s0 =	sshrl.u32 s0, $0x3  }
0x26: {  	s15 =	simm.s32 $0x50;
	s16 =	simm.s32 $0x3000;
	s22 =	sadd.s32 s7, s1  }
0x27: {  	v0 =	vimm.f32 $0.0e+00;
	s23 =	sadd.s32 s8, s1;
	s24 =	sadd.s32 s0, s1;
	s8 =	sadd.s32 $0x12C00, s14  }
.LBB2_1:
0x28: {  	[tilespmem:s3], [sflag:$0x4] =	stream.linear.gather [hbm4b:s6+s3], $0x2710, $0x38;
	[tilespmem:$0x1FD00] =	vst v63  }
0x29: {  	_ =	swait.ge [sflag:s11], $0x2710  }
0x2a: {  	[sflag:s11] =	ssyncset.done $0x0  }
0x2b: {  	[sflag:s11] =	ssyncadd.s32 $0xFFFFD8F0  }
0x2c: {  	[tilespmem:s12], [sflag:$0x4] =	stream.linear.gather [hbm4b:s5+s3], $0x7D0, $0x38;
	[tilespmem:$0x1FD00] =	vst v63  }
0x2d: {  	_ =	swait.ge [sflag:s11], $0x7D0  }
0x2e: {  	[sflag:s11] =	ssyncset.done $0x0  }
0x2f: {  	s0 =	simm.s32 $0x0;
	[sflag:s11] =	ssyncadd.s32 $0xFFFFF830  }
0x30: {  	v2 =	vld [tilespmem:s0+$0x2780];
	_ =	sdelay $0x1  }
0x31: {  	v1 =	vld [tilespmem:s0+$0x0];
	_ =	sdelay $0x2  }
0x32: {  	v2 =	vmul.u32 $0x2710, v2  }
0x33: {  	s1 =	simm.s32 $0x10;
	s30 =	simm.s32 $0x80  }
.LBB2_2:
0x34: {  	p0 =	sne.s32 s30, $0x1F00;
	v3 =	vld [tilespmem:s1+$0x2780];
	v1 =	vadd.s32 v1, v2  }
0x35: {  	[tilespmem:s0+$0x0] =	vst v1;
	s0 =	smov.u32 s1  }
.Ltmp0:
0x36: {  	v1 =	vld [tilespmem:s0+$0x0];
	(pc) =	sbr.rel @p0 .LBB2_2-.Ltmp0, $3  }
0x37: {  	_ =	sdelay $0x1  }
0x38: {  	v2 =	vmul.u32 $0x2710, v3  }
0x39: {  	s1 =	sshra.s32 s30, $0x2;
	s30 =	sadd.s32 $0x40, s30  }
0x3a: {  	v3 =	vld [tilespmem:s1+$0x2780];
	v1 =	vadd.s32 v1, v2  }
0x3b: {  	[tilespmem:s0+$0x0] =	vst v1  }
0x3c: {  	v1 =	vld [tilespmem:s1+$0x0];
	_ =	sdelay $0x2  }
0x3d: {  	v2 =	vmul.u32 $0x2710, v3;
	_ =	sdelay $0x1  }
0x3e: {  	v1 =	vadd.s32 v1, v2  }
0x3f: {  	s7 =	simm.s32 $0x0;
	s31 =	rddreg [dreg:$0x5];
	[tilespmem:s1+$0x0] =	vst v1  }
0x40: {  	[tilespmem:s12], [sflag:$0x4] =	stream.linear.gather [hbm4b:s31+s7], $0x7D0, $0x38;
	[tilespmem:$0x1FD00] =	vst v63  }
0x41: {  	_ =	swait.ge [sflag:s11], $0x7D0  }
0x42: {  	[sflag:s11] =	ssyncset.done $0x0  }
0x43: {  	s0 =	simm.s32 $0x0;
	[sflag:s11] =	ssyncadd.s32 $0xFFFFF830  }
0x44: {  	v2 =	vld [tilespmem:s0+$0x2780];
	_ =	sdelay $0x1  }
0x45: {  	v1 =	vld [tilespmem:s0+$0x7D0];
	_ =	sdelay $0x2  }
0x46: {  	v2 =	vmul.u32 $0x2710, v2  }
0x47: {  	s30 =	simm.s32 $0x80;
	s1 =	simm.s32 $0x10  }
.LBB2_4:
0x48: {  	p0 =	sne.s32 s30, $0x1F00;
	v3 =	vld [tilespmem:s1+$0x2780];
	v1 =	vadd.s32 v1, v2  }
0x49: {  	[tilespmem:s0+$0x7D0] =	vst v1;
	s0 =	smov.u32 s1  }
.Ltmp1:
0x4a: {  	v1 =	vld [tilespmem:s0+$0x7D0];
	(pc) =	sbr.rel @p0 .LBB2_4-.Ltmp1, $3  }
0x4b: {  	_ =	sdelay $0x1  }
0x4c: {  	v2 =	vmul.u32 $0x2710, v3  }
0x4d: {  	s1 =	sshra.s32 s30, $0x2;
	s30 =	sadd.s32 $0x40, s30  }
0x4e: {  	v3 =	vld [tilespmem:s1+$0x2780];
	v1 =	vadd.s32 v1, v2  }
0x4f: {  	[tilespmem:s0+$0x7D0] =	vst v1  }
0x50: {  	v1 =	vld [tilespmem:s1+$0x7D0];
	_ =	sdelay $0x2  }
0x51: {  	v2 =	vmul.u32 $0x2710, v3;
	_ =	sdelay $0x1  }
0x52: {  	v1 =	vadd.s32 v1, v2  }
0x53: {  	s7 =	simm.s32 $0x0;
	s31 =	rddreg [dreg:$0x6];
	[tilespmem:s1+$0x7D0] =	vst v1  }
0x54: {  	[tilespmem:s12], [sflag:$0x4] =	stream.linear.gather [hbm4b:s31+s7], $0x7D0, $0x38;
	[tilespmem:$0x1FD00] =	vst v63  }
0x55: {  	_ =	swait.ge [sflag:s11], $0x7D0  }
0x56: {  	[sflag:s11] =	ssyncset.done $0x0  }
0x57: {  	s0 =	simm.s32 $0x0;
	[sflag:s11] =	ssyncadd.s32 $0xFFFFF830  }
0x58: {  	v2 =	vld [tilespmem:s0+$0x2780];
	_ =	sdelay $0x1  }
0x59: {  	v1 =	vld [tilespmem:s0+$0xFA0];
	_ =	sdelay $0x2  }
0x5a: {  	v2 =	vmul.u32 $0x2710, v2  }
0x5b: {  	s30 =	simm.s32 $0x80;
	s1 =	simm.s32 $0x10  }
.LBB2_6:
0x5c: {  	p0 =	sne.s32 s30, $0x1F00;
	v3 =	vld [tilespmem:s1+$0x2780];
	v1 =	vadd.s32 v1, v2  }
0x5d: {  	[tilespmem:s0+$0xFA0] =	vst v1;
	s0 =	smov.u32 s1  }
.Ltmp2:
0x5e: {  	v1 =	vld [tilespmem:s0+$0xFA0];
	(pc) =	sbr.rel @p0 .LBB2_6-.Ltmp2, $3  }
0x5f: {  	_ =	sdelay $0x1  }
0x60: {  	v2 =	vmul.u32 $0x2710, v3  }
0x61: {  	s1 =	sshra.s32 s30, $0x2;
	s30 =	sadd.s32 $0x40, s30  }
0x62: {  	v3 =	vld [tilespmem:s1+$0x2780];
	v1 =	vadd.s32 v1, v2  }
0x63: {  	[tilespmem:s0+$0xFA0] =	vst v1  }
0x64: {  	v1 =	vld [tilespmem:s1+$0xFA0];
	_ =	sdelay $0x2  }
0x65: {  	v2 =	vmul.u32 $0x2710, v3;
	_ =	sdelay $0x1  }
0x66: {  	v1 =	vadd.s32 v1, v2  }
0x67: {  	s7 =	simm.s32 $0x0;
	s31 =	rddreg [dreg:$0x7];
	[tilespmem:s1+$0xFA0] =	vst v1  }
0x68: {  	[tilespmem:s12], [sflag:$0x4] =	stream.linear.gather [hbm4b:s31+s7], $0x7D0, $0x38;
	[tilespmem:$0x1FD00] =	vst v63  }
0x69: {  	_ =	swait.ge [sflag:s11], $0x7D0  }
0x6a: {  	[sflag:s11] =	ssyncset.done $0x0  }
0x6b: {  	s0 =	simm.s32 $0x0;
	[sflag:s11] =	ssyncadd.s32 $0xFFFFF830  }
0x6c: {  	v2 =	vld [tilespmem:s0+$0x2780];
	_ =	sdelay $0x1  }
0x6d: {  	v1 =	vld [tilespmem:s0+$0x1770];
	_ =	sdelay $0x2  }
0x6e: {  	v2 =	vmul.u32 $0x2710, v2  }
0x6f: {  	s30 =	simm.s32 $0x80;
	s1 =	simm.s32 $0x10  }
.LBB2_8:
0x70: {  	p0 =	sne.s32 s30, $0x1F00;
	v3 =	vld [tilespmem:s1+$0x2780];
	v1 =	vadd.s32 v1, v2  }
0x71: {  	[tilespmem:s0+$0x1770] =	vst v1;
	s0 =	smov.u32 s1  }
.Ltmp3:
0x72: {  	v1 =	vld [tilespmem:s0+$0x1770];
	(pc) =	sbr.rel @p0 .LBB2_8-.Ltmp3, $3  }
0x73: {  	_ =	sdelay $0x1  }
0x74: {  	v2 =	vmul.u32 $0x2710, v3  }
0x75: {  	s1 =	sshra.s32 s30, $0x2;
	s30 =	sadd.s32 $0x40, s30  }
0x76: {  	v3 =	vld [tilespmem:s1+$0x2780];
	v1 =	vadd.s32 v1, v2  }
0x77: {  	[tilespmem:s0+$0x1770] =	vst v1  }
0x78: {  	v1 =	vld [tilespmem:s1+$0x1770];
	_ =	sdelay $0x2  }
0x79: {  	v2 =	vmul.u32 $0x2710, v3;
	_ =	sdelay $0x1  }
0x7a: {  	v1 =	vadd.s32 v1, v2  }
0x7b: {  	s7 =	simm.s32 $0x0;
	s31 =	rddreg [dreg:$0x8];
	[tilespmem:s1+$0x1770] =	vst v1  }
0x7c: {  	[tilespmem:s12], [sflag:$0x4] =	stream.linear.gather [hbm4b:s31+s7], $0x7D0, $0x38;
	[tilespmem:$0x1FD00] =	vst v63  }
0x7d: {  	_ =	swait.ge [sflag:s11], $0x7D0  }
0x7e: {  	[sflag:s11] =	ssyncset.done $0x0  }
0x7f: {  	s0 =	simm.s32 $0x0;
	[sflag:s11] =	ssyncadd.s32 $0xFFFFF830  }
0x80: {  	v2 =	vld [tilespmem:s0+$0x2780];
	_ =	sdelay $0x1  }
0x81: {  	v1 =	vld [tilespmem:s0+$0x1F40];
	_ =	sdelay $0x2  }
0x82: {  	v2 =	vmul.u32 $0x2710, v2  }
0x83: {  	s30 =	simm.s32 $0x80;
	s1 =	simm.s32 $0x10  }
.LBB2_10:
0x84: {  	p0 =	sne.s32 s30, $0x1F00;
	v3 =	vld [tilespmem:s1+$0x2780];
	v1 =	vadd.s32 v1, v2  }
0x85: {  	[tilespmem:s0+$0x1F40] =	vst v1;
	s0 =	smov.u32 s1  }
.Ltmp4:
0x86: {  	v1 =	vld [tilespmem:s0+$0x1F40];
	(pc) =	sbr.rel @p0 .LBB2_10-.Ltmp4, $3  }
0x87: {  	_ =	sdelay $0x1  }
0x88: {  	v2 =	vmul.u32 $0x2710, v3  }
0x89: {  	s1 =	sshra.s32 s30, $0x2;
	s30 =	sadd.s32 $0x40, s30  }
0x8a: {  	v3 =	vld [tilespmem:s1+$0x2780];
	v1 =	vadd.s32 v1, v2  }
0x8b: {  	[tilespmem:s0+$0x1F40] =	vst v1  }
0x8c: {  	v1 =	vld [tilespmem:s1+$0x1F40];
	_ =	sdelay $0x2  }
0x8d: {  	v2 =	vmul.u32 $0x2710, v3;
	_ =	sdelay $0x1  }
0x8e: {  	v1 =	vadd.s32 v1, v2  }
0x8f: {  	s31 =	rddreg [dreg:$0x9];
	s0 =	simm.s32 $0x0;
	[tilespmem:s1+$0x1F40] =	vst v1  }
0x90: {  	[tilespmem:s13], [sflag:$0x1] =	stream.linear.gather [hbm4b:s31+s0], $0x50, $0x38;
	[tilespmem:$0x1FD00] =	vst v63  }
0x91: {  	_ = 	snop  }
0x92: {  	[tilespmem:s16], [sflag:$0x1] =	stream.indirect.gather [hbm4b:s4+s15], $0x80, s0, s15, $0xb8;
	[tilespmem:$0x1FD00] =	vst v63  }
0x93: {  	s7 =	rddreg [dreg:$0xa]  }
0x94: {  	[tilespmem:s17], [sflag:$0x2] =	stream.linear.gather [hbm4b:s7+s0], $0x50, $0x38;
	[tilespmem:$0x1FD00] =	vst v63  }
0x95: {  	_ = 	snop  }
0x96: {  	[tilespmem:s18], [sflag:$0x2] =	stream.indirect.gather [hbm4b:s4+s15], $0x80, s15, s15, $0xb8;
	[tilespmem:$0x1FD00] =	vst v63  }
0x97: {  	s30 =	rddreg [dreg:$0xb]  }
0x98: {  	[tilespmem:s19], [sflag:$0x3] =	stream.linear.gather [hbm4b:s30+s0], $0x50, $0x38;
	[tilespmem:$0x1FD00] =	vst v63  }
0x99: {  	s1 =	simm.s32 $0x200;
	s31 =	simm.s32 $0xA0;
	s0 =	simm.s32 $0x0  }
0x9a: {  	[tilespmem:s20], [sflag:$0x3] =	stream.indirect.gather [hbm4b:s4+s15], $0x80, s31, s15, $0xb8;
	[tilespmem:$0x1FD00] =	vst v63  }
.LBB2_12:
0x9b: {  	p0 =	sne.s32 s1, $0x4E00;
	[tilespmem:s0+$0xA970] =	vst v0  }
0x9c: {  	[tilespmem:s0+$0xA900] =	vst v0  }
0x9d: {  	[tilespmem:s0+$0xA910] =	vst v0  }
.Ltmp5:
0x9e: {  	[tilespmem:s0+$0xA920] =	vst v0;
	(pc) =	sbr.rel @p0 .LBB2_12-.Ltmp5, $4  }
0x9f: {  	[tilespmem:s0+$0xA930] =	vst v0  }
0xa0: {  	[tilespmem:s0+$0xA940] =	vst v0  }
0xa1: {  	[tilespmem:s0+$0xA950] =	vst v0  }
0xa2: {  	[tilespmem:s0+$0xA960] =	vst v0;
	s0 =	sshra.s32 s1, $0x2;
	s1 =	sadd.s32 $0x200, s1  }
0xa3: {  	[tilespmem:s0+$0xA970] =	vst v0  }
0xa4: {  	[tilespmem:s0+$0xA900] =	vst v0  }
0xa5: {  	[tilespmem:s0+$0xA910] =	vst v0  }
0xa6: {  	[tilespmem:s0+$0xA920] =	vst v0  }
0xa7: {  	[tilespmem:s0+$0xA930] =	vst v0  }
0xa8: {  	[tilespmem:s0+$0xA940] =	vst v0  }
0xa9: {  	[tilespmem:s0+$0xA950] =	vst v0  }
0xaa: {  	[tilespmem:s0+$0xA960] =	vst v0  }
0xab: {  	[spmem:s14] =	stream.linear.scatter [tilespmem:s21], [sflag:$0x4], $0x1400, $0x38;
	[tilespmem:$0x1FD00] =	vst v63  }
0xac: {  	_ =	swait.ge [sflag:s11], $0x1400  }
0xad: {  	[sflag:s11] =	ssyncset.done $0x0  }
0xae: {  	s7 =	rddreg [dreg:$0xe];
	[sflag:s11] =	ssyncadd.s32 $0xFFFFEC00  }
0xaf: {  	[spmem:s7] =	stream.linear.scatter [tilespmem:s21], [sflag:$0x4], $0x1400, $0x38;
	[tilespmem:$0x1FD00] =	vst v63  }
0xb0: {  	_ =	swait.ge [sflag:s11], $0x1400  }
0xb1: {  	[sflag:s11] =	ssyncset.done $0x0  }
0xb2: {  	s1 =	rddreg [dreg:$0xf];
	[sflag:s11] =	ssyncadd.s32 $0xFFFFEC00  }
0xb3: {  	[spmem:s1] =	stream.linear.scatter [tilespmem:s21], [sflag:$0x4], $0x1400, $0x38;
	[tilespmem:$0x1FD00] =	vst v63  }
0xb4: {  	_ =	swait.ge [sflag:s11], $0x1400  }
0xb5: {  	[sflag:s11] =	ssyncset.done $0x0  }
0xb6: {  	s7 =	rddreg [dreg:$0x10];
	[sflag:s11] =	ssyncadd.s32 $0xFFFFEC00  }
0xb7: {  	[spmem:s7] =	stream.linear.scatter [tilespmem:s21], [sflag:$0x4], $0x1400, $0x38;
	[tilespmem:$0x1FD00] =	vst v63  }
0xb8: {  	_ =	swait.ge [sflag:s11], $0x1400  }
0xb9: {  	[sflag:s11] =	ssyncset.done $0x0  }
0xba: {  	s1 =	rddreg [dreg:$0x11];
	[sflag:s11] =	ssyncadd.s32 $0xFFFFEC00  }
0xbb: {  	[spmem:s1] =	stream.linear.scatter [tilespmem:s21], [sflag:$0x4], $0x1400, $0x38;
	[tilespmem:$0x1FD00] =	vst v63  }
0xbc: {  	_ =	swait.ge [sflag:s11], $0x1400  }
0xbd: {  	[sflag:s11] =	ssyncset.done $0x0  }
0xbe: {  	s7 =	rddreg [dreg:$0x12];
	[sflag:s11] =	ssyncadd.s32 $0xFFFFEC00  }
0xbf: {  	[spmem:s7] =	stream.linear.scatter [tilespmem:s21], [sflag:$0x4], $0x1400, $0x38;
	[tilespmem:$0x1FD00] =	vst v63  }
0xc0: {  	_ =	swait.ge [sflag:s11], $0x1400  }
0xc1: {  	[sflag:s11] =	ssyncset.done $0x0  }
0xc2: {  	s1 =	rddreg [dreg:$0x13];
	[sflag:s11] =	ssyncadd.s32 $0xFFFFEC00  }
0xc3: {  	[spmem:s1] =	stream.linear.scatter [tilespmem:s21], [sflag:$0x4], $0x1400, $0x38;
	[tilespmem:$0x1FD00] =	vst v63  }
0xc4: {  	_ =	swait.ge [sflag:s11], $0x1400  }
0xc5: {  	[sflag:s11] =	ssyncset.done $0x0  }
0xc6: {  	s7 =	rddreg [dreg:$0x14];
	[sflag:s11] =	ssyncadd.s32 $0xFFFFEC00  }
0xc7: {  	[spmem:s7] =	stream.linear.scatter [tilespmem:s21], [sflag:$0x4], $0x1400, $0x38;
	[tilespmem:$0x1FD00] =	vst v63  }
0xc8: {  	_ =	swait.ge [sflag:s11], $0x1400  }
0xc9: {  	[sflag:s11] =	ssyncset.done $0x0  }
0xca: {  	s1 =	rddreg [dreg:$0x15];
	[sflag:s11] =	ssyncadd.s32 $0xFFFFEC00  }
0xcb: {  	[spmem:s1] =	stream.linear.scatter [tilespmem:s21], [sflag:$0x4], $0x1400, $0x38;
	[tilespmem:$0x1FD00] =	vst v63  }
0xcc: {  	_ =	swait.ge [sflag:s11], $0x1400  }
0xcd: {  	[sflag:s11] =	ssyncset.done $0x0  }
0xce: {  	s7 =	rddreg [dreg:$0x16];
	[sflag:s11] =	ssyncadd.s32 $0xFFFFEC00  }
0xcf: {  	[spmem:s7] =	stream.linear.scatter [tilespmem:s21], [sflag:$0x4], $0x1400, $0x38;
	[tilespmem:$0x1FD00] =	vst v63  }
0xd0: {  	_ =	swait.ge [sflag:s11], $0x1400  }
0xd1: {  	[sflag:s11] =	ssyncset.done $0x0  }
0xd2: {  	s1 =	rddreg [dreg:$0x17];
	[sflag:s11] =	ssyncadd.s32 $0xFFFFEC00  }
0xd3: {  	[spmem:s1] =	stream.linear.scatter [tilespmem:s21], [sflag:$0x4], $0x1400, $0x38;
	[tilespmem:$0x1FD00] =	vst v63  }
0xd4: {  	_ =	swait.ge [sflag:s11], $0x1400  }
0xd5: {  	[sflag:s11] =	ssyncset.done $0x0  }
0xd6: {  	s7 =	rddreg [dreg:$0x18];
	[sflag:s11] =	ssyncadd.s32 $0xFFFFEC00  }
0xd7: {  	[spmem:s7] =	stream.linear.scatter [tilespmem:s21], [sflag:$0x4], $0x1400, $0x38;
	[tilespmem:$0x1FD00] =	vst v63  }
0xd8: {  	_ =	swait.ge [sflag:s11], $0x1400  }
0xd9: {  	[sflag:s11] =	ssyncset.done $0x0  }
0xda: {  	s1 =	rddreg [dreg:$0x19];
	[sflag:s11] =	ssyncadd.s32 $0xFFFFEC00  }
0xdb: {  	[spmem:s1] =	stream.linear.scatter [tilespmem:s21], [sflag:$0x4], $0x1400, $0x38;
	[tilespmem:$0x1FD00] =	vst v63  }
0xdc: {  	_ =	swait.ge [sflag:s11], $0x1400  }
0xdd: {  	[sflag:s11] =	ssyncset.done $0x0  }
0xde: {  	s7 =	rddreg [dreg:$0x1a];
	[sflag:s11] =	ssyncadd.s32 $0xFFFFEC00  }
0xdf: {  	[spmem:s7] =	stream.linear.scatter [tilespmem:s21], [sflag:$0x4], $0x1400, $0x38;
	[tilespmem:$0x1FD00] =	vst v63  }
0xe0: {  	_ =	swait.ge [sflag:s11], $0x1400  }
0xe1: {  	[sflag:s11] =	ssyncset.done $0x0  }
0xe2: {  	s1 =	rddreg [dreg:$0x1b];
	[sflag:s11] =	ssyncadd.s32 $0xFFFFEC00  }
0xe3: {  	[spmem:s1] =	stream.linear.scatter [tilespmem:s21], [sflag:$0x4], $0x1400, $0x38;
	[tilespmem:$0x1FD00] =	vst v63  }
0xe4: {  	_ =	swait.ge [sflag:s11], $0x1400  }
0xe5: {  	[sflag:s11] =	ssyncset.done $0x0  }
0xe6: {  	[sflag:s11] =	ssyncadd.s32 $0xFFFFEC00  }
0xe7: {  	[spmem:s8] =	stream.linear.scatter [tilespmem:s21], [sflag:$0x4], $0x1400, $0x38;
	[tilespmem:$0x1FD00] =	vst v63  }
0xe8: {  	_ =	swait.ge [sflag:s11], $0x1400  }
0xe9: {  	[sflag:s11] =	ssyncset.done $0x0  }
0xea: {  	[sflag:s11] =	ssyncadd.s32 $0xFFFFEC00  }
0xeb: {  	[bflag:$0x0] =	sbarrier.arrive $0xFFFF  }
0xec: {  	_ =	swait.ge [sflag:s25], $0x50  }
0xed: {  	[sflag:s25] =	ssyncset.done $0x0  }
0xee: {  	[sflag:s25] =	ssyncadd.s32 $0xFFFFFFB0  }
0xef: {  	_ =	swait.ge [sflag:s25], $0x2800  }
0xf0: {  	[sflag:s25] =	ssyncset.done $0x0  }
0xf1: {  	[sflag:s25] =	ssyncadd.s32 $0xFFFFD800  }
0xf2: {  	[spmem:s2] =	stream.indirect.scatter.add.f32 [tilespmem:s16], [sflag:$0x4], $0x80, s13, s15, $0xb8;
	[tilespmem:$0x1FD00] =	vst v63  }
0xf3: {  	_ =	swait.ge [sflag:s11], $0x2800  }
0xf4: {  	[sflag:s11] =	ssyncset.done $0x0  }
0xf5: {  	s7 =	sadd.s32 $0x0, s24;
	[sflag:s11] =	ssyncadd.s32 $0xFFFFD800  }
0xf6: {  	[tilespmem:s13], [sflag:$0x1] =	stream.linear.gather [hbm4b:s7+s3], $0x50, $0x38;
	[tilespmem:$0x1FD00] =	vst v63  }
0xf7: {  	s1 =	simm.s32 $0xF0  }
0xf8: {  	[tilespmem:s16], [sflag:$0x1] =	stream.indirect.gather [hbm4b:s4+s15], $0x80, s1, s15, $0xb8;
	[tilespmem:$0x1FD00] =	vst v63  }
0xf9: {  	_ =	swait.ge [sflag:s26], $0x50  }
0xfa: {  	[sflag:s26] =	ssyncset.done $0x0  }
0xfb: {  	[sflag:s26] =	ssyncadd.s32 $0xFFFFFFB0  }
0xfc: {  	_ =	swait.ge [sflag:s26], $0x2800  }
0xfd: {  	[sflag:s26] =	ssyncset.done $0x0  }
0xfe: {  	[sflag:s26] =	ssyncadd.s32 $0xFFFFD800  }
0xff: {  	[spmem:s2] =	stream.indirect.scatter.add.f32 [tilespmem:s18], [sflag:$0x4], $0x80, s17, s15, $0xb8;
	[tilespmem:$0x1FD00] =	vst v63  }
0x100: {  	_ =	swait.ge [sflag:s11], $0x2800  }
0x101: {  	[sflag:s11] =	ssyncset.done $0x0  }
0x102: {  	s7 =	sadd.s32 $0x0, s23;
	[sflag:s11] =	ssyncadd.s32 $0xFFFFD800  }
0x103: {  	[tilespmem:s17], [sflag:$0x2] =	stream.linear.gather [hbm4b:s7+s3], $0x50, $0x38;
	[tilespmem:$0x1FD00] =	vst v63  }
0x104: {  	s1 =	simm.s32 $0x140  }
0x105: {  	[tilespmem:s18], [sflag:$0x2] =	stream.indirect.gather [hbm4b:s4+s15], $0x80, s1, s15, $0xb8;
	[tilespmem:$0x1FD00] =	vst v63  }
0x106: {  	_ =	swait.ge [sflag:s28], $0x50  }
0x107: {  	[sflag:s28] =	ssyncset.done $0x0  }
0x108: {  	[sflag:s28] =	ssyncadd.s32 $0xFFFFFFB0  }
0x109: {  	_ =	swait.ge [sflag:s28], $0x2800  }
0x10a: {  	[sflag:s28] =	ssyncset.done $0x0  }
0x10b: {  	[sflag:s28] =	ssyncadd.s32 $0xFFFFD800  }
0x10c: {  	[spmem:s2] =	stream.indirect.scatter.add.f32 [tilespmem:s20], [sflag:$0x4], $0x80, s19, s15, $0xb8;
	[tilespmem:$0x1FD00] =	vst v63  }
0x10d: {  	_ =	swait.ge [sflag:s11], $0x2800  }
0x10e: {  	s30 =	simm.s32 $0x190;
	s31 =	simm.s32 $0x1E;
	[sflag:s11] =	ssyncset.done $0x0  }
0x10f: {  	s0 =	simm.s32 $0x280;
	s7 =	sadd.s32 $0x0, s22;
	[sflag:s11] =	ssyncadd.s32 $0xFFFFD800  }
0x110: {  	[tilespmem:s19], [sflag:$0x3] =	stream.linear.gather [hbm4b:s7+s3], $0x50, $0x38;
	[tilespmem:$0x1FD00] =	vst v63  }
.LBB2_14:
0x111: {  	[tilespmem:s20], [sflag:$0x3] =	stream.indirect.gather [hbm4b:s4+s15], $0x80, s30, s15, $0xb8;
	[tilespmem:$0x1FD00] =	vst v63  }
0x112: {  	s1 =	smov.u32 s31;
	s30 =	smov.u32 s0  }
0x113: {  	p0 =	sne.s32 s31, $0x492;
	s31 =	sadd.s32 $0x1E, s31;
	_ =	swait.ge [sflag:s25], $0x50  }
0x114: {  	[sflag:s25] =	ssyncset.done $0x0  }
0x115: {  	[sflag:s25] =	ssyncadd.s32 $0xFFFFFFB0  }
0x116: {  	_ =	swait.ge [sflag:s25], $0x2800  }
0x117: {  	[sflag:s25] =	ssyncset.done $0x0  }
0x118: {  	[sflag:s25] =	ssyncadd.s32 $0xFFFFD800  }
0x119: {  	[spmem:s2] =	stream.indirect.scatter.add.f32 [tilespmem:s16], [sflag:$0x4], $0x80, s13, s15, $0xb8;
	[tilespmem:$0x1FD00] =	vst v63  }
0x11a: {  	_ =	swait.ge [sflag:s11], $0x2800  }
0x11b: {  	[sflag:s11] =	ssyncset.done $0x0  }
0x11c: {  	s7 =	sadd.s32 s1, s24;
	[sflag:s11] =	ssyncadd.s32 $0xFFFFD800  }
0x11d: {  	[tilespmem:s13], [sflag:$0x1] =	stream.linear.gather [hbm4b:s7+s3], $0x50, $0x38;
	[tilespmem:$0x1FD00] =	vst v63  }
0x11e: {  	s7 =	sadd.s32 $0xFFFFFF60, s0  }
0x11f: {  	[tilespmem:s16], [sflag:$0x1] =	stream.indirect.gather [hbm4b:s4+s15], $0x80, s7, s15, $0xb8;
	[tilespmem:$0x1FD00] =	vst v63  }
0x120: {  	_ =	swait.ge [sflag:s26], $0x50  }
0x121: {  	[sflag:s26] =	ssyncset.done $0x0  }
0x122: {  	[sflag:s26] =	ssyncadd.s32 $0xFFFFFFB0  }
0x123: {  	_ =	swait.ge [sflag:s26], $0x2800  }
0x124: {  	[sflag:s26] =	ssyncset.done $0x0  }
0x125: {  	[sflag:s26] =	ssyncadd.s32 $0xFFFFD800  }
0x126: {  	[spmem:s2] =	stream.indirect.scatter.add.f32 [tilespmem:s18], [sflag:$0x4], $0x80, s17, s15, $0xb8;
	[tilespmem:$0x1FD00] =	vst v63  }
0x127: {  	_ =	swait.ge [sflag:s11], $0x2800  }
0x128: {  	[sflag:s11] =	ssyncset.done $0x0  }
0x129: {  	s7 =	sadd.s32 s1, s23;
	[sflag:s11] =	ssyncadd.s32 $0xFFFFD800  }
0x12a: {  	[tilespmem:s17], [sflag:$0x2] =	stream.linear.gather [hbm4b:s7+s3], $0x50, $0x38;
	[tilespmem:$0x1FD00] =	vst v63  }
0x12b: {  	s7 =	sadd.s32 $0xFFFFFFB0, s0  }
0x12c: {  	[tilespmem:s18], [sflag:$0x2] =	stream.indirect.gather [hbm4b:s4+s15], $0x80, s7, s15, $0xb8;
	[tilespmem:$0x1FD00] =	vst v63  }
0x12d: {  	_ =	swait.ge [sflag:s28], $0x50  }
0x12e: {  	[sflag:s28] =	ssyncset.done $0x0  }
0x12f: {  	[sflag:s28] =	ssyncadd.s32 $0xFFFFFFB0  }
0x130: {  	_ =	swait.ge [sflag:s28], $0x2800  }
0x131: {  	[sflag:s28] =	ssyncset.done $0x0  }
0x132: {  	[sflag:s28] =	ssyncadd.s32 $0xFFFFD800  }
0x133: {  	[spmem:s2] =	stream.indirect.scatter.add.f32 [tilespmem:s20], [sflag:$0x4], $0x80, s19, s15, $0xb8;
	[tilespmem:$0x1FD00] =	vst v63  }
.Ltmp6:
0x134: {  	_ =	swait.ge [sflag:s11], $0x2800;
	(pc) =	sbr.rel @p0 .LBB2_14-.Ltmp6, $4  }
0x135: {  	[sflag:s11] =	ssyncset.done $0x0  }
0x136: {  	s1 =	sadd.s32 s1, s22;
	[sflag:s11] =	ssyncadd.s32 $0xFFFFD800  }
0x137: {  	[tilespmem:s19], [sflag:$0x3] =	stream.linear.gather [hbm4b:s1+s3], $0x50, $0x38;
	[tilespmem:$0x1FD00] =	vst v63  }
0x138: {  	s0 =	sadd.s32 $0xF0, s0  }
0x139: {  	[tilespmem:s20], [sflag:$0x3] =	stream.indirect.gather [hbm4b:s4+s15], $0x80, s30, s15, $0xb8;
	[tilespmem:$0x1FD00] =	vst v63  }
0x13a: {  	_ =	swait.ge [sflag:s25], $0x50  }
0x13b: {  	[sflag:s25] =	ssyncset.done $0x0  }
0x13c: {  	[sflag:s25] =	ssyncadd.s32 $0xFFFFFFB0  }
0x13d: {  	_ =	swait.ge [sflag:s25], $0x2800  }
0x13e: {  	[sflag:s25] =	ssyncset.done $0x0  }
0x13f: {  	[sflag:s25] =	ssyncadd.s32 $0xFFFFD800  }
0x140: {  	[spmem:s2] =	stream.indirect.scatter.add.f32 [tilespmem:s16], [sflag:$0x4], $0x80, s13, s15, $0xb8;
	[tilespmem:$0x1FD00] =	vst v63  }
0x141: {  	_ =	swait.ge [sflag:s11], $0x2800  }
0x142: {  	[sflag:s11] =	ssyncset.done $0x0  }
0x143: {  	[sflag:s11] =	ssyncadd.s32 $0xFFFFD800  }
0x144: {  	[tilespmem:s13], [sflag:$0x1] =	stream.linear.gather [hbm4b:s9+s3], $0x50, $0x38;
	[tilespmem:$0x1FD00] =	vst v63  }
0x145: {  	s0 =	simm.s32 $0x2670  }
0x146: {  	[tilespmem:s16], [sflag:$0x1] =	stream.indirect.gather [hbm4b:s4+s15], $0x80, s0, s15, $0xb8;
	[tilespmem:$0x1FD00] =	vst v63  }
0x147: {  	_ =	swait.ge [sflag:s26], $0x50  }
0x148: {  	[sflag:s26] =	ssyncset.done $0x0  }
0x149: {  	[sflag:s26] =	ssyncadd.s32 $0xFFFFFFB0  }
0x14a: {  	_ =	swait.ge [sflag:s26], $0x2800  }
0x14b: {  	[sflag:s26] =	ssyncset.done $0x0  }
0x14c: {  	[sflag:s26] =	ssyncadd.s32 $0xFFFFD800  }
0x14d: {  	[spmem:s2] =	stream.indirect.scatter.add.f32 [tilespmem:s18], [sflag:$0x4], $0x80, s17, s15, $0xb8;
	[tilespmem:$0x1FD00] =	vst v63  }
0x14e: {  	_ =	swait.ge [sflag:s11], $0x2800  }
0x14f: {  	[sflag:s11] =	ssyncset.done $0x0  }
0x150: {  	[sflag:s11] =	ssyncadd.s32 $0xFFFFD800  }
0x151: {  	[tilespmem:s17], [sflag:$0x2] =	stream.linear.gather [hbm4b:s10+s3], $0x50, $0x38;
	[tilespmem:$0x1FD00] =	vst v63  }
0x152: {  	s7 =	simm.s32 $0x26C0  }
0x153: {  	[tilespmem:s18], [sflag:$0x2] =	stream.indirect.gather [hbm4b:s4+s15], $0x80, s7, s15, $0xb8;
	[tilespmem:$0x1FD00] =	vst v63  }
0x154: {  	_ =	swait.ge [sflag:s28], $0x50  }
0x155: {  	[sflag:s28] =	ssyncset.done $0x0  }
0x156: {  	[sflag:s28] =	ssyncadd.s32 $0xFFFFFFB0  }
0x157: {  	_ =	swait.ge [sflag:s28], $0x2800  }
0x158: {  	[sflag:s28] =	ssyncset.done $0x0  }
0x159: {  	[sflag:s28] =	ssyncadd.s32 $0xFFFFD800  }
0x15a: {  	[spmem:s2] =	stream.indirect.scatter.add.f32 [tilespmem:s20], [sflag:$0x4], $0x80, s19, s15, $0xb8;
	[tilespmem:$0x1FD00] =	vst v63  }
0x15b: {  	_ =	swait.ge [sflag:s11], $0x2800  }
0x15c: {  	[sflag:s11] =	ssyncset.done $0x0  }
0x15d: {  	[sflag:s11] =	ssyncadd.s32 $0xFFFFD800  }
0x15e: {  	_ =	swait.ge [sflag:s25], $0x50  }
0x15f: {  	[sflag:s25] =	ssyncset.done $0x0  }
0x160: {  	[sflag:s25] =	ssyncadd.s32 $0xFFFFFFB0  }
0x161: {  	_ =	swait.ge [sflag:s25], $0x2800  }
0x162: {  	[sflag:s25] =	ssyncset.done $0x0  }
0x163: {  	[sflag:s25] =	ssyncadd.s32 $0xFFFFD800  }
0x164: {  	[spmem:s2] =	stream.indirect.scatter.add.f32 [tilespmem:s16], [sflag:$0x4], $0x80, s13, s15, $0xb8;
	[tilespmem:$0x1FD00] =	vst v63  }
0x165: {  	_ =	swait.ge [sflag:s11], $0x2800  }
0x166: {  	[sflag:s11] =	ssyncset.done $0x0  }
0x167: {  	[sflag:s11] =	ssyncadd.s32 $0xFFFFD800  }
0x168: {  	_ =	swait.ge [sflag:s26], $0x50  }
0x169: {  	[sflag:s26] =	ssyncset.done $0x0  }
0x16a: {  	[sflag:s26] =	ssyncadd.s32 $0xFFFFFFB0  }
0x16b: {  	_ =	swait.ge [sflag:s26], $0x2800  }
0x16c: {  	[sflag:s26] =	ssyncset.done $0x0  }
0x16d: {  	[sflag:s26] =	ssyncadd.s32 $0xFFFFD800  }
0x16e: {  	[spmem:s2] =	stream.indirect.scatter.add.f32 [tilespmem:s18], [sflag:$0x4], $0x80, s17, s15, $0xb8;
	[tilespmem:$0x1FD00] =	vst v63  }
0x16f: {  	_ =	swait.ge [sflag:s11], $0x2800  }
0x170: {  	[sflag:s11] =	ssyncset.done $0x0  }
0x171: {  	s30 =	stileid.u32;
	[sflag:s11] =	ssyncadd.s32 $0xFFFFD800  }
0x172: {  	s0 =	sshll.u32 s30, $0x6;
	[bflag:$0x0] =	sbarrier.arrive $0xFFFF  }
0x173: {  	s1 =	sshrl.u32 s14, $0x3;
	s0 =	sor.u32 $0x1C04, s0;
	s7 =	rddreg [dreg:$0xc]  }
0x174: {  	[hbm:s7], [sflag:s0] =	dma.local [spmem:s1], $0x2800  }
0x175: {  	_ =	swait.ge [sflag:s11], $0x2800  }
0x176: {  	s29 =	sadd.s32 $0x1, s29;
	s31 =	rddreg [dreg:$0xd]  }
0x177: {  	p0 =	sne.s32 s29, s31  }
.Ltmp7:
0x178: {  	_ = 	snop;
	(pc) =	sbr.rel @p0 .LBB2_1-.Ltmp7, $3  }
0x179: {  	_ =	sdelay $0x1  }
0x17a: {  	[sflag:s11] =	ssyncset.done $0x0  }
0x17b: {  	[sflag:s11] =	ssyncadd.s32 $0xFFFFD800  }
0x17c: {  	_ =	sfence.sel $0x180000  }
0x17d: {  	[bflag:$0x0] =	sbarrier.arrive $0xFFFF  }
0x17e: {  	_ =	strace $0x90000047  }
0x17f: {  	s0 =	stileid.u32;
	[bflag:$0x2] =	sbarrier.arrive $0xFFFF  }
0x180: {  	p0 =	sne.s32 s0, $0x0;
	s0 =	rddreg [dreg:$0x4]  }
0x181: {  	s0 =	sadd.s32 @!p0 $0x100000, s0  }
0x182: {  	[sflag:s0] =	ssyncadd.tile.s32 @!p0 $0x1;
	_ =	shalt  }
.Lfunc_end2:
_tile_overlayer_lowered:
.L_overlay_start_2:
0x183: {  	(tag) =	ssettag $0x2  }
0x184: {  	s0 =	rddreg [dreg:$0x0];
	s2 =	stileid.u32  }
0x185: {  	s1 =	rddreg [dreg:$0x1];
	p0 =	sne.s32 s2, $0x0  }
0x186: {  	s3 =	rddreg [dreg:$0x2];
	[bflag:$0x3] =	sbarrier.arrive $0xFFFF;
	s2 =	simm.s32 @!p0 $0x1C04  }
0x187: {  	[timem:s3], [sflag:s2] =	dma.local @!p0 [hbm:s0], s1  }
0x188: {  	s0 =	simm.s32 @!p0 $0x4  }
0x189: {  	_ =	swait.ge @!p0 [sflag:s0], s1  }
0x18a: {  	s1 =	ssub.s32 @!p0 $0x0, s1;
	[sflag:s0] =	ssyncset.done @!p0 $0x0  }
0x18b: {  	[sflag:s0] =	ssyncadd.s32 @!p0 s1  }
0x18c: {  	[bflag:$0x3] =	sbarrier.arrive $0xFFFF  }
0x18d: {  	_ =	shalt  }

</sc_bundles>
